<compile_context>
chip_gen: v7x
topology: tpu7x:2x2x1
jax: 0.10.2.dev20260603
libtpu: 0.0.44.dev20260713+nightly
codegen_flags: <defaults>
</compile_context>

<pallas_src>
import functools

import jax
import jax.numpy as jnp
from jax import lax
from jax.experimental import pallas as pl
from jax.experimental.pallas import tpu as pltpu
from jax.experimental.pallas import tpu_sc as plsc

T = 2048
H = 1024
F = 2048
E = 16
K = 2
CAP = (T * K // E) * 2

BC = 256
BF = 1024
NF = F // BF
NB = 32
NBP = NB + 1
RT = NBP * BC
TRASH = NB * BC
GW = 128

NUM_SC_CORES = 2
NUM_SC_SUBCORES = 16
NW = NUM_SC_CORES * NUM_SC_SUBCORES
APW = T * K // NW
ACH = 32
NCH = APW // ACH
TCH = ACH // K



def _router_body(x_ref, rw_ref, dst_ref, gw_ref, meta_ref):
    xf = x_ref[...]
    logits = jnp.dot(xf, rw_ref[...], preferred_element_type=jnp.float32)
    m = jnp.max(logits, axis=1, keepdims=True)
    p = jnp.exp(logits - m)
    p = p / jnp.sum(p, axis=1, keepdims=True)

    lane = lax.broadcasted_iota(jnp.int32, (T, E), 1)
    m1 = jnp.max(p, axis=1, keepdims=True)
    i1 = jnp.min(jnp.where(p == m1, lane, E), axis=1, keepdims=True)
    p2 = jnp.where(lane == i1, -1.0, p)
    m2 = jnp.max(p2, axis=1, keepdims=True)
    i2 = jnp.min(jnp.where(p2 == m2, lane, E), axis=1, keepdims=True)

    oh = (lane == i1).astype(jnp.float32) + (lane == i2).astype(jnp.float32)
    base = jnp.zeros((1, E), jnp.float32)
    chunks = []
    CH = 512
    ri = lax.broadcasted_iota(jnp.int32, (CH, CH), 0)
    ci = lax.broadcasted_iota(jnp.int32, (CH, CH), 1)
    tril = (ci < ri).astype(jnp.float32)
    for c in range(T // CH):
        ohc = oh[c * CH:(c + 1) * CH, :]
        excl = jnp.dot(tril, ohc, preferred_element_type=jnp.float32) + base
        chunks.append(excl)
        base = base + jnp.sum(ohc, axis=0, keepdims=True)
    posm = jnp.concatenate(chunks, axis=0)
    counts = base
    countc = jnp.minimum(counts, float(CAP))

    nb_e = jnp.ceil(countc / BC)
    lane16 = lax.broadcasted_iota(jnp.int32, (1, E), 1)
    ue = lax.broadcasted_iota(jnp.int32, (E, E), 0)
    ve = lax.broadcasted_iota(jnp.int32, (E, E), 1)
    umat = (ue < ve).astype(jnp.float32)
    blk_start = jnp.dot(nb_e, umat, preferred_element_type=jnp.float32)
    nbl = jnp.sum(nb_e)
    row_off = BC * blk_start

    pos1 = jnp.sum(jnp.where(lane == i1, posm, 0.0), axis=1, keepdims=True)
    pos2 = jnp.sum(jnp.where(lane == i2, posm, 0.0), axis=1, keepdims=True)
    roff1 = jnp.sum(jnp.where(lane == i1, row_off, 0.0), axis=1, keepdims=True)
    roff2 = jnp.sum(jnp.where(lane == i2, row_off, 0.0), axis=1, keepdims=True)
    keep1 = pos1 < CAP
    keep2 = pos2 < CAP
    dst1 = jnp.where(keep1, roff1 + pos1, float(TRASH)).astype(jnp.int32)
    dst2 = jnp.where(keep2, roff2 + pos2, float(TRASH)).astype(jnp.int32)

    col2 = lax.broadcasted_iota(jnp.int32, (T, K), 1)
    dst_ref[...] = jnp.where(col2 == 0, dst1, dst2)

    g1 = jnp.where(keep1, m1, 0.0)
    g2 = jnp.where(keep2, m2, 0.0)
    colg = lax.broadcasted_iota(jnp.int32, (T, 2 * GW), 1)
    gw_ref[...] = jnp.where(colg < GW, g1, g2)

    bi = lax.broadcasted_iota(jnp.int32, (NBP, E), 0).astype(jnp.float32)
    in_blk = (bi >= blk_start) & (bi < blk_start + nb_e)
    lane_r = lax.broadcasted_iota(jnp.int32, (NBP, E), 1)
    be_raw = jnp.sum(jnp.where(in_blk, lane_r, 0), axis=1, keepdims=True)
    last_e = jnp.max(jnp.where(nb_e > 0, lane16, -1))
    bcol = lax.broadcasted_iota(jnp.int32, (NBP, 1), 0).astype(jnp.float32)
    be = jnp.where(bcol < nbl, be_raw, last_e)
    nbl_col = jnp.full((NBP, 1), nbl).astype(jnp.int32)
    meta_ref[...] = jnp.concatenate([be, nbl_col], axis=0)


_router = pl.pallas_call(
    _router_body,
    out_shape=(
        jax.ShapeDtypeStruct((T, K), jnp.int32),
        jax.ShapeDtypeStruct((T, 2 * GW), jnp.float32),
        jax.ShapeDtypeStruct((2 * NBP, 1), jnp.int32),
    ),
)



def _dispatch_body(x_hbm, dst_hbm, gw2_hbm, xin_hbm, gatec_hbm,
                   idxall_v, gwa_v, idx0, idx1, tok0, tok1, rows0, rows1,
                   gsem0, gsem1, ssem0, ssem1):
    wid = lax.axis_index("s") * NUM_SC_CORES + lax.axis_index("c")
    base = wid * APW

    pltpu.sync_copy(dst_hbm.at[pl.ds(base, APW)], idxall_v)
    pltpu.sync_copy(gw2_hbm.at[pl.ds(base, APW)], gwa_v)
    pltpu.sync_copy(gwa_v, gatec_hbm.at[idxall_v])

    idxb = (idx0, idx1)
    tokb = (tok0, tok1)
    rowsb = (rows0, rows1)
    gsem = (gsem0, gsem1)
    ssem = (ssem0, ssem1)
    gd = [None] * NCH
    sd = [None] * NCH

    def prep(c):
        b = c % 2
        a0 = base + c * ACH
        pltpu.sync_copy(dst_hbm.at[pl.ds(a0, ACH)], idxb[b])
        for j in range(ACH // 16):
            tokb[b][pl.ds(j * 16, 16)] = (a0 + j * 16 + lax.iota(jnp.int32, 16)) >> 1
        gd[c] = pltpu.async_copy(x_hbm.at[tokb[b]], rowsb[b], gsem[b])

    prep(0)
    prep(1)
    for c in range(NCH):
        b = c % 2
        gd[c].wait()
        sd[c] = pltpu.async_copy(rowsb[b], xin_hbm.at[idxb[b]], ssem[b])
        if 1 <= c < NCH - 1:
            sd[c - 1].wait()
            prep(c + 1)
    for c in range(max(0, NCH - 2), NCH):
        sd[c].wait()


@functools.lru_cache(maxsize=None)
def _get_dispatch():
    return pl.kernel(
        _dispatch_body,
        out_type=(
            jax.ShapeDtypeStruct((RT, H), jnp.float32),
            jax.ShapeDtypeStruct((RT, GW), jnp.float32),
        ),
        mesh=plsc.VectorSubcoreMesh(
            core_axis_name="c", subcore_axis_name="s",
            num_cores=NUM_SC_CORES, num_subcores=NUM_SC_SUBCORES),
        scratch_types=[
            pltpu.VMEM((APW,), jnp.int32),
            pltpu.VMEM((APW, GW), jnp.float32),
            pltpu.VMEM((ACH,), jnp.int32),
            pltpu.VMEM((ACH,), jnp.int32),
            pltpu.VMEM((ACH,), jnp.int32),
            pltpu.VMEM((ACH,), jnp.int32),
            pltpu.VMEM((ACH, H), jnp.float32),
            pltpu.VMEM((ACH, H), jnp.float32),
            pltpu.SemaphoreType.DMA,
            pltpu.SemaphoreType.DMA,
            pltpu.SemaphoreType.DMA,
            pltpu.SemaphoreType.DMA,
        ],
    )



def _ffn_body(meta_ref, xin_ref, w1_ref, w2_ref, gc_ref, out_ref):
    b = pl.program_id(0)
    f = pl.program_id(1)
    nbl = meta_ref[NBP]

    @pl.when(b < nbl)
    def _():
        h = jnp.dot(xin_ref[...].astype(jnp.bfloat16),
                    w1_ref[...].astype(jnp.bfloat16),
                    preferred_element_type=jnp.float32)
        h = 0.5 * h * (1.0 + lax.erf(h * (2.0 ** -0.5)))
        acc = jnp.dot(h.astype(jnp.bfloat16),
                      w2_ref[...].astype(jnp.bfloat16),
                      preferred_element_type=jnp.float32)

        @pl.when(f == 0)
        def _():
            out_ref[...] = acc

        @pl.when(f == NF - 1)
        def _():
            g = gc_ref[...][:, 0:1]
            prev = acc if NF == 1 else out_ref[...] + acc
            out_ref[...] = prev * g

        if NF > 2:
            @pl.when((f > 0) & (f < NF - 1))
            def _():
                out_ref[...] += acc

    @pl.when(b == NB)
    def _():
        @pl.when(f == 0)
        def _():
            out_ref[...] = jnp.zeros_like(out_ref)


def _act_map(b, f, m):
    return jnp.minimum(b, m[NBP] - 1)


def _ffn_xin_map(b, f, m):
    return (_act_map(b, f, m), 0)


def _ffn_w1_map(b, f, m):
    return (0, m[b] * NF + jnp.where(b < m[NBP], f, NF - 1))


def _ffn_w2_map(b, f, m):
    return (m[b] * NF + jnp.where(b < m[NBP], f, NF - 1), 0)


def _ffn_gc_map(b, f, m):
    return (_act_map(b, f, m), 0)


def _ffn_out_map(b, f, m):
    return (jnp.where(b == NB, NB, _act_map(b, f, m)), 0)


_ffn = pl.pallas_call(
    _ffn_body,
    grid_spec=pltpu.PrefetchScalarGridSpec(
        num_scalar_prefetch=1,
        grid=(NBP, NF),
        in_specs=[
            pl.BlockSpec((BC, H), _ffn_xin_map),
            pl.BlockSpec((H, BF), _ffn_w1_map),
            pl.BlockSpec((BF, H), _ffn_w2_map),
            pl.BlockSpec((BC, GW), _ffn_gc_map),
        ],
        out_specs=pl.BlockSpec((BC, H), _ffn_out_map),
    ),
    out_shape=jax.ShapeDtypeStruct((RT, H), jnp.float32),
)



def _combine_body(yout_hbm, dst_hbm, out_hbm,
                  idx0, idx1, rows0, rows1, o_v, gsem0, gsem1):
    wid = lax.axis_index("s") * NUM_SC_CORES + lax.axis_index("c")
    base_a = wid * APW
    base_t = wid * (APW // K)

    idxb = (idx0, idx1)
    rowsb = (rows0, rows1)
    gsem = (gsem0, gsem1)
    gd = [None] * NCH

    def prep(c):
        b = c % 2
        a0 = base_a + c * ACH
        pltpu.sync_copy(dst_hbm.at[pl.ds(a0, ACH)], idxb[b])
        gd[c] = pltpu.async_copy(yout_hbm.at[idxb[b]], rowsb[b], gsem[b])

    prep(0)
    prep(1)
    for c in range(NCH):
        b = c % 2
        t0 = base_t + c * TCH
        gd[c].wait()
        rows = rowsb[b]

        def tok_body(k, _):
            for cc in range(H // 16):
                r0 = rows[2 * k, pl.ds(cc * 16, 16)]
                r1 = rows[2 * k + 1, pl.ds(cc * 16, 16)]
                o_v[k, pl.ds(cc * 16, 16)] = r0 + r1
            return 0

        lax.fori_loop(0, TCH, tok_body, 0)
        pltpu.sync_copy(o_v, out_hbm.at[pl.ds(t0, TCH)])
        if c + 2 < NCH:
            prep(c + 2)


@functools.lru_cache(maxsize=None)
def _get_combine():
    return pl.kernel(
        _combine_body,
        out_type=jax.ShapeDtypeStruct((T, H), jnp.float32),
        mesh=plsc.VectorSubcoreMesh(
            core_axis_name="c", subcore_axis_name="s",
            num_cores=NUM_SC_CORES, num_subcores=NUM_SC_SUBCORES),
        scratch_types=[
            pltpu.VMEM((ACH,), jnp.int32),
            pltpu.VMEM((ACH,), jnp.int32),
            pltpu.VMEM((ACH, H), jnp.float32),
            pltpu.VMEM((ACH, H), jnp.float32),
            pltpu.VMEM((TCH, H), jnp.float32),
            pltpu.SemaphoreType.DMA,
            pltpu.SemaphoreType.DMA,
        ],
    )



def kernel(x, router_weight, w1, w2):
    dst2, gw, meta = _router(x, router_weight)
    dst = dst2.reshape(T * K)
    gw2 = gw.reshape(T * K, GW)
    meta_flat = meta.reshape(2 * NBP)
    xin, gatec = _get_dispatch()(x, dst, gw2)
    yout = _ffn(meta_flat, xin, w1, w2, gatec)
    return yout[:T]
    out = _get_combine()(yout, dst)
    return out

# --- scband reference (transcript-rebuilt; emitter-appended) ---
"""Pipeline reference for scband-overlap-mo-elayer-28217935134731 (READ-ONLY COPY).

The authoritative reference and input builder live on the scoring server;
editing this copy changes nothing except your own understanding.
"""

import jax, jax.numpy as jnp
import numpy as np

T = 2048
HIDDEN = 1024
FFN = 2048
E = 16
TOPK = 2
CAP = (T * TOPK // E) * 2  # capacity high enough that no tokens drop with random routing


def setup_inputs(seed: int = 0) -> dict:
    key = jax.random.key(seed)
    k1, k2, k3, k4 = jax.random.split(key, 4)
    x = jax.random.normal(k1, (T, HIDDEN), dtype=jnp.float32)
    router_weight = jax.random.normal(k2, (HIDDEN, E), dtype=jnp.float32)
    w1 = jax.random.normal(k3, (HIDDEN, FFN * E), dtype=jnp.float32) * 0.02
    w2 = jax.random.normal(k4, (FFN * E, HIDDEN), dtype=jnp.float32) * 0.02
    return {"x": x, "router_weight": router_weight, "w1": w1, "w2": w2}


def reference(x, router_weight, w1, w2):
    num_tokens = x.shape[0]
    # --- routing (single EP rank: all experts local) ---
    logits = x.astype(jnp.float32) @ router_weight
    probs = jax.nn.softmax(logits, axis=-1)
    top_probs, top_idx = jax.lax.top_k(probs, TOPK)  # [T, k]
    expert_idx = top_idx.reshape(-1)                 # [T*k], token t slot j at t*k+j
    gates = top_probs.reshape(-1)                    # [T*k]
    x_rep = jnp.repeat(x, TOPK, axis=0)              # [T*k, H]
    # --- dispatch via scatter-add (position within expert buffer) ---
    onehot = jax.nn.one_hot(expert_idx, E, dtype=jnp.int32)
    pos_in_exp = (jnp.cumsum(onehot, axis=0) * onehot).sum(axis=-1) - 1
    keep = (pos_in_exp < CAP).astype(jnp.float32)
    pos_c = jnp.clip(pos_in_exp, 0, CAP - 1)
    expert_inputs = jnp.zeros((E, CAP, HIDDEN), jnp.float32).at[expert_idx, pos_c].add(x_rep * keep[:, None])
    # --- per-expert FFN (w1 layout: [H, F*E] column blocks per expert; w2: [F*E, H] row blocks) ---
    w1r = w1.reshape(HIDDEN, E, FFN).transpose(1, 0, 2)  # [E, H, F]
    w2r = w2.reshape(E, FFN, HIDDEN)                     # [E, F, H]
    h = jax.nn.gelu(jnp.einsum('ech,ehf->ecf', expert_inputs, w1r), approximate=False)
    expert_out = jnp.einsum('ecf,efh->ech', h, w2r)      # [E, C, H]
    # --- combine: gather back, weight by router probs, sum over top_k slots ---
    y = expert_out[expert_idx, pos_c] * keep[:, None] * gates[:, None]
    output = y.reshape(num_tokens, TOPK, HIDDEN).sum(axis=1)
    return output

if __name__ == "__main__":
    import jax
    _d = setup_inputs()
    print(jax.jit(kernel)(*tuple(_d.values())))

</pallas_src>

<mosaic_0001>
#map = affine_map<(d0, d1) -> (0, 0)>
#map1 = affine_map<(d0, d1) -> (0)>
module attributes {stable_mosaic.version = 14 : i64} {
  func.func @_dispatch_body(%arg0: i32, %arg1: i32, %arg2: memref<2048x1024xf32, #tpu.memory_space<hbm>>, %arg3: memref<4096xi32, #tpu.memory_space<hbm>>, %arg4: memref<4096x128xf32, #tpu.memory_space<hbm>>, %arg5: memref<8448x1024xf32, #tpu.memory_space<hbm>>, %arg6: memref<8448x128xf32, #tpu.memory_space<hbm>>, %arg7: memref<128xi32, #tpu.memory_space<vmem>>, %arg8: memref<128x128xf32, #tpu.memory_space<vmem>>, %arg9: memref<32xi32, #tpu.memory_space<vmem>>, %arg10: memref<32xi32, #tpu.memory_space<vmem>>, %arg11: memref<32xi32, #tpu.memory_space<vmem>>, %arg12: memref<32xi32, #tpu.memory_space<vmem>>, %arg13: memref<32x1024xf32, #tpu.memory_space<vmem>>, %arg14: memref<32x1024xf32, #tpu.memory_space<vmem>>, %arg15: memref<!tpu.dma_semaphore, #tpu.memory_space<semaphore_mem>>, %arg16: memref<!tpu.dma_semaphore, #tpu.memory_space<semaphore_mem>>, %arg17: memref<!tpu.dma_semaphore, #tpu.memory_space<semaphore_mem>>, %arg18: memref<!tpu.dma_semaphore, #tpu.memory_space<semaphore_mem>>) attributes {dimension_semantics = [#tpu.dimension_semantics<core_parallel>, #tpu.dimension_semantics<subcore_parallel>], iteration_bounds = array<i64: 2, 16>, scalar_prefetch = 0 : i64, scratch_operands = 12 : i64, tpu.core_type = #tpu.core_type<sc_vector_subcore>, window_params = [{transform_indices = #map}, {transform_indices = #map1}, {transform_indices = #map}, {transform_indices = #map}, {transform_indices = #map}]} {
    %mul3A = arith.constant 2 : i32
    %mul3A_0 = arith.muli %arg1, %mul3A : i32
    %add3A = arith.addi %mul3A_0, %arg0 : i32
    %mul3A_1 = arith.constant 128 : i32
    %mul3A_2 = arith.muli %add3A, %mul3A_1 : i32
    "tpu.region"() ({
      %run_scoped3A = tpu.sem_alloc : memref<!tpu.dma_semaphore, #tpu.memory_space<semaphore_mem>>
      %dma_start3A_150 = tpu.memref_slice %arg3[%mul3A_2] : memref<4096xi32, #tpu.memory_space<hbm>> -> memref<128xi32, #tpu.memory_space<hbm>>
      %dma_start3A_151 = tpu.memref_slice %arg3[%mul3A_2] : memref<4096xi32, #tpu.memory_space<hbm>> -> memref<128xi32, #tpu.memory_space<hbm>>
      tpu.enqueue_dma source(%dma_start3A_151 : memref<128xi32, #tpu.memory_space<hbm>>) target(%arg7 : memref<128xi32, #tpu.memory_space<vmem>>) target_semaphore(%run_scoped3A : memref<!tpu.dma_semaphore, #tpu.memory_space<semaphore_mem>>)
      %dma_wait3A_152 = tpu.memref_slice %arg3[%mul3A_2] : memref<4096xi32, #tpu.memory_space<hbm>> -> memref<128xi32, #tpu.memory_space<hbm>>
      %dma_wait3A_153 = tpu.memref_slice %arg3[%mul3A_2] : memref<4096xi32, #tpu.memory_space<hbm>> -> memref<128xi32, #tpu.memory_space<hbm>>
      tpu.wait_dma2 semaphore(%run_scoped3A : memref<!tpu.dma_semaphore, #tpu.memory_space<semaphore_mem>>) src(%dma_wait3A_153 : memref<128xi32, #tpu.memory_space<hbm>>) dst(%arg7 : memref<128xi32, #tpu.memory_space<vmem>>)
      tpu.yield
    }) : () -> ()
    "tpu.region"() ({
      %run_scoped3A = tpu.sem_alloc : memref<!tpu.dma_semaphore, #tpu.memory_space<semaphore_mem>>
      %dma_start3A_150 = arith.constant 0 : i32
      %dma_start3A_151 = tpu.memref_slice %arg4[%mul3A_2, %dma_start3A_150] : memref<4096x128xf32, #tpu.memory_space<hbm>> -> memref<128x128xf32, #tpu.memory_space<hbm>>
      %dma_start3A_152 = arith.constant 0 : i32
      %dma_start3A_153 = tpu.memref_slice %arg4[%mul3A_2, %dma_start3A_152] : memref<4096x128xf32, #tpu.memory_space<hbm>> -> memref<128x128xf32, #tpu.memory_space<hbm>>
      tpu.enqueue_dma source(%dma_start3A_153 : memref<128x128xf32, #tpu.memory_space<hbm>>) target(%arg8 : memref<128x128xf32, #tpu.memory_space<vmem>>) target_semaphore(%run_scoped3A : memref<!tpu.dma_semaphore, #tpu.memory_space<semaphore_mem>>)
      %dma_wait3A_154 = arith.constant 0 : i32
      %dma_wait3A_155 = tpu.memref_slice %arg4[%mul3A_2, %dma_wait3A_154] : memref<4096x128xf32, #tpu.memory_space<hbm>> -> memref<128x128xf32, #tpu.memory_space<hbm>>
      %dma_wait3A_156 = arith.constant 0 : i32
      %dma_wait3A_157 = tpu.memref_slice %arg4[%mul3A_2, %dma_wait3A_156] : memref<4096x128xf32, #tpu.memory_space<hbm>> -> memref<128x128xf32, #tpu.memory_space<hbm>>
      tpu.wait_dma2 semaphore(%run_scoped3A : memref<!tpu.dma_semaphore, #tpu.memory_space<semaphore_mem>>) src(%dma_wait3A_157 : memref<128x128xf32, #tpu.memory_space<hbm>>) dst(%arg8 : memref<128x128xf32, #tpu.memory_space<vmem>>)
      tpu.yield
    }) : () -> ()
    "tpu.region"() ({
      %run_scoped3A = tpu.sem_alloc : memref<!tpu.dma_semaphore, #tpu.memory_space<semaphore_mem>>
      %dma_start3A_150 = arith.constant 0 : i32
      %dma_start3A_151 = arith.constant 0 : i32
      %dma_start3A_152 = tpu.memref_slice %arg6[%dma_start3A_150, %dma_start3A_151] : memref<8448x128xf32, #tpu.memory_space<hbm>> -> memref<8448x128xf32, #tpu.memory_space<hbm>>
      tpu.enqueue_indirect_dma source(%arg8 : memref<128x128xf32, #tpu.memory_space<vmem>>) target(%dma_start3A_152 : memref<8448x128xf32, #tpu.memory_space<hbm>>) offsets(%arg7 : memref<128xi32, #tpu.memory_space<vmem>>) semaphore(%run_scoped3A : memref<!tpu.dma_semaphore, #tpu.memory_space<semaphore_mem>>)
      %dma_wait3A_153 = arith.constant 0 : i32
      %dma_wait3A_154 = arith.constant 0 : i32
      %dma_wait3A_155 = tpu.memref_slice %arg6[%dma_wait3A_153, %dma_wait3A_154] : memref<8448x128xf32, #tpu.memory_space<hbm>> -> memref<8448x128xf32, #tpu.memory_space<hbm>>
      tpu.wait_indirect_dma semaphore(%run_scoped3A : memref<!tpu.dma_semaphore, #tpu.memory_space<semaphore_mem>>) src(%arg8 : memref<128x128xf32, #tpu.memory_space<vmem>>) dst(%dma_wait3A_155 : memref<8448x128xf32, #tpu.memory_space<hbm>>)
      tpu.yield
    }) : () -> ()
    %add3A_3 = arith.constant 0 : i32
    %add3A_4 = arith.addi %mul3A_2, %add3A_3 : i32
    "tpu.region"() ({
      %run_scoped3A = tpu.sem_alloc : memref<!tpu.dma_semaphore, #tpu.memory_space<semaphore_mem>>
      %dma_start3A_150 = tpu.memref_slice %arg3[%add3A_4] : memref<4096xi32, #tpu.memory_space<hbm>> -> memref<32xi32, #tpu.memory_space<hbm>>
      %dma_start3A_151 = tpu.memref_slice %arg3[%add3A_4] : memref<4096xi32, #tpu.memory_space<hbm>> -> memref<32xi32, #tpu.memory_space<hbm>>
      tpu.enqueue_dma source(%dma_start3A_151 : memref<32xi32, #tpu.memory_space<hbm>>) target(%arg9 : memref<32xi32, #tpu.memory_space<vmem>>) target_semaphore(%run_scoped3A : memref<!tpu.dma_semaphore, #tpu.memory_space<semaphore_mem>>)
      %dma_wait3A_152 = tpu.memref_slice %arg3[%add3A_4] : memref<4096xi32, #tpu.memory_space<hbm>> -> memref<32xi32, #tpu.memory_space<hbm>>
      %dma_wait3A_153 = tpu.memref_slice %arg3[%add3A_4] : memref<4096xi32, #tpu.memory_space<hbm>> -> memref<32xi32, #tpu.memory_space<hbm>>
      tpu.wait_dma2 semaphore(%run_scoped3A : memref<!tpu.dma_semaphore, #tpu.memory_space<semaphore_mem>>) src(%dma_wait3A_153 : memref<32xi32, #tpu.memory_space<hbm>>) dst(%arg9 : memref<32xi32, #tpu.memory_space<vmem>>)
      tpu.yield
    }) : () -> ()
    %add3A_5 = arith.constant 0 : i32
    %add3A_6 = arith.addi %add3A_4, %add3A_5 : i32
    %iota3A = tpu.iota {dimensions = array<i32: 0>} : vector<16xi32>
    %add3A_7 = vector.broadcast %add3A_6 : i32 to vector<16xi32>
    %add3A_8 = arith.addi %add3A_7, %iota3A : vector<16xi32>
    %shift_right_arithmetic3A = arith.constant 1 : i32
    %shift_right_arithmetic3A_9 = vector.broadcast %shift_right_arithmetic3A : i32 to vector<16xi32>
    %shift_right_arithmetic3A_10 = arith.shrsi %add3A_8, %shift_right_arithmetic3A_9 : vector<16xi32>
    %swap3A = arith.constant 0 : index
    %swap3A_11 = tpu.vector_load %arg11[%swap3A] {strides = array<i32>} : memref<32xi32, #tpu.memory_space<vmem>>, vector<16xi32>,
    %swap3A_12 = vector.shape_cast %swap3A_11 : vector<16xi32> to vector<16xi32>
    %swap3A_13 = vector.shape_cast %shift_right_arithmetic3A_10 : vector<16xi32> to vector<16xi32>
    tpu.vector_store %arg11[%swap3A], %swap3A_13 {strides = array<i32>} : memref<32xi32, #tpu.memory_space<vmem>>, vector<16xi32>,
    %add3A_14 = arith.constant 16 : i32
    %add3A_15 = arith.addi %add3A_4, %add3A_14 : i32
    %iota3A_16 = tpu.iota {dimensions = array<i32: 0>} : vector<16xi32>
    %add3A_17 = vector.broadcast %add3A_15 : i32 to vector<16xi32>
    %add3A_18 = arith.addi %add3A_17, %iota3A_16 : vector<16xi32>
    %shift_right_arithmetic3A_19 = arith.constant 1 : i32
    %shift_right_arithmetic3A_20 = vector.broadcast %shift_right_arithmetic3A_19 : i32 to vector<16xi32>
    %shift_right_arithmetic3A_21 = arith.shrsi %add3A_18, %shift_right_arithmetic3A_20 : vector<16xi32>
    %swap3A_22 = arith.constant 16 : index
    %swap3A_23 = tpu.vector_load %arg11[%swap3A_22] {strides = array<i32>} : memref<32xi32, #tpu.memory_space<vmem>>, vector<16xi32>,
    %swap3A_24 = vector.shape_cast %swap3A_23 : vector<16xi32> to vector<16xi32>
    %swap3A_25 = vector.shape_cast %shift_right_arithmetic3A_21 : vector<16xi32> to vector<16xi32>
    tpu.vector_store %arg11[%swap3A_22], %swap3A_25 {strides = array<i32>} : memref<32xi32, #tpu.memory_space<vmem>>, vector<16xi32>,
    %dma_start3A = arith.constant 0 : i32
    %dma_start3A_26 = arith.constant 0 : i32
    %dma_start3A_27 = tpu.memref_slice %arg2[%dma_start3A, %dma_start3A_26] : memref<2048x1024xf32, #tpu.memory_space<hbm>> -> memref<2048x1024xf32, #tpu.memory_space<hbm>>
    tpu.enqueue_indirect_dma source(%dma_start3A_27 : memref<2048x1024xf32, #tpu.memory_space<hbm>>) target(%arg13 : memref<32x1024xf32, #tpu.memory_space<vmem>>) offsets(%arg11 : memref<32xi32, #tpu.memory_space<vmem>>) semaphore(%arg15 : memref<!tpu.dma_semaphore, #tpu.memory_space<semaphore_mem>>)
    %add3A_28 = arith.constant 32 : i32
    %add3A_29 = arith.addi %mul3A_2, %add3A_28 : i32
    "tpu.region"() ({
      %run_scoped3A = tpu.sem_alloc : memref<!tpu.dma_semaphore, #tpu.memory_space<semaphore_mem>>
      %dma_start3A_150 = tpu.memref_slice %arg3[%add3A_29] : memref<4096xi32, #tpu.memory_space<hbm>> -> memref<32xi32, #tpu.memory_space<hbm>>
      %dma_start3A_151 = tpu.memref_slice %arg3[%add3A_29] : memref<4096xi32, #tpu.memory_space<hbm>> -> memref<32xi32, #tpu.memory_space<hbm>>
      tpu.enqueue_dma source(%dma_start3A_151 : memref<32xi32, #tpu.memory_space<hbm>>) target(%arg10 : memref<32xi32, #tpu.memory_space<vmem>>) target_semaphore(%run_scoped3A : memref<!tpu.dma_semaphore, #tpu.memory_space<semaphore_mem>>)
      %dma_wait3A_152 = tpu.memref_slice %arg3[%add3A_29] : memref<4096xi32, #tpu.memory_space<hbm>> -> memref<32xi32, #tpu.memory_space<hbm>>
      %dma_wait3A_153 = tpu.memref_slice %arg3[%add3A_29] : memref<4096xi32, #tpu.memory_space<hbm>> -> memref<32xi32, #tpu.memory_space<hbm>>
      tpu.wait_dma2 semaphore(%run_scoped3A : memref<!tpu.dma_semaphore, #tpu.memory_space<semaphore_mem>>) src(%dma_wait3A_153 : memref<32xi32, #tpu.memory_space<hbm>>) dst(%arg10 : memref<32xi32, #tpu.memory_space<vmem>>)
      tpu.yield
    }) : () -> ()
    %add3A_30 = arith.constant 0 : i32
    %add3A_31 = arith.addi %add3A_29, %add3A_30 : i32
    %iota3A_32 = tpu.iota {dimensions = array<i32: 0>} : vector<16xi32>
    %add3A_33 = vector.broadcast %add3A_31 : i32 to vector<16xi32>
    %add3A_34 = arith.addi %add3A_33, %iota3A_32 : vector<16xi32>
    %shift_right_arithmetic3A_35 = arith.constant 1 : i32
    %shift_right_arithmetic3A_36 = vector.broadcast %shift_right_arithmetic3A_35 : i32 to vector<16xi32>
    %shift_right_arithmetic3A_37 = arith.shrsi %add3A_34, %shift_right_arithmetic3A_36 : vector<16xi32>
    %swap3A_38 = arith.constant 0 : index
    %swap3A_39 = tpu.vector_load %arg12[%swap3A_38] {strides = array<i32>} : memref<32xi32, #tpu.memory_space<vmem>>, vector<16xi32>,
    %swap3A_40 = vector.shape_cast %swap3A_39 : vector<16xi32> to vector<16xi32>
    %swap3A_41 = vector.shape_cast %shift_right_arithmetic3A_37 : vector<16xi32> to vector<16xi32>
    tpu.vector_store %arg12[%swap3A_38], %swap3A_41 {strides = array<i32>} : memref<32xi32, #tpu.memory_space<vmem>>, vector<16xi32>,
    %add3A_42 = arith.constant 16 : i32
    %add3A_43 = arith.addi %add3A_29, %add3A_42 : i32
    %iota3A_44 = tpu.iota {dimensions = array<i32: 0>} : vector<16xi32>
    %add3A_45 = vector.broadcast %add3A_43 : i32 to vector<16xi32>
    %add3A_46 = arith.addi %add3A_45, %iota3A_44 : vector<16xi32>
    %shift_right_arithmetic3A_47 = arith.constant 1 : i32
    %shift_right_arithmetic3A_48 = vector.broadcast %shift_right_arithmetic3A_47 : i32 to vector<16xi32>
    %shift_right_arithmetic3A_49 = arith.shrsi %add3A_46, %shift_right_arithmetic3A_48 : vector<16xi32>
    %swap3A_50 = arith.constant 16 : index
    %swap3A_51 = tpu.vector_load %arg12[%swap3A_50] {strides = array<i32>} : memref<32xi32, #tpu.memory_space<vmem>>, vector<16xi32>,
    %swap3A_52 = vector.shape_cast %swap3A_51 : vector<16xi32> to vector<16xi32>
    %swap3A_53 = vector.shape_cast %shift_right_arithmetic3A_49 : vector<16xi32> to vector<16xi32>
    tpu.vector_store %arg12[%swap3A_50], %swap3A_53 {strides = array<i32>} : memref<32xi32, #tpu.memory_space<vmem>>, vector<16xi32>,
    %dma_start3A_54 = arith.constant 0 : i32
    %dma_start3A_55 = arith.constant 0 : i32
    %dma_start3A_56 = tpu.memref_slice %arg2[%dma_start3A_54, %dma_start3A_55] : memref<2048x1024xf32, #tpu.memory_space<hbm>> -> memref<2048x1024xf32, #tpu.memory_space<hbm>>
    tpu.enqueue_indirect_dma source(%dma_start3A_56 : memref<2048x1024xf32, #tpu.memory_space<hbm>>) target(%arg14 : memref<32x1024xf32, #tpu.memory_space<vmem>>) offsets(%arg12 : memref<32xi32, #tpu.memory_space<vmem>>) semaphore(%arg16 : memref<!tpu.dma_semaphore, #tpu.memory_space<semaphore_mem>>)
    %dma_wait3A = arith.constant 0 : i32
    %dma_wait3A_57 = arith.constant 0 : i32
    %dma_wait3A_58 = tpu.memref_slice %arg2[%dma_wait3A, %dma_wait3A_57] : memref<2048x1024xf32, #tpu.memory_space<hbm>> -> memref<2048x1024xf32, #tpu.memory_space<hbm>>
    tpu.wait_indirect_dma semaphore(%arg15 : memref<!tpu.dma_semaphore, #tpu.memory_space<semaphore_mem>>) src(%dma_wait3A_58 : memref<2048x1024xf32, #tpu.memory_space<hbm>>) dst(%arg13 : memref<32x1024xf32, #tpu.memory_space<vmem>>)
    %dma_start3A_59 = arith.constant 0 : i32
    %dma_start3A_60 = arith.constant 0 : i32
    %dma_start3A_61 = tpu.memref_slice %arg5[%dma_start3A_59, %dma_start3A_60] : memref<8448x1024xf32, #tpu.memory_space<hbm>> -> memref<8448x1024xf32, #tpu.memory_space<hbm>>
    tpu.enqueue_indirect_dma source(%arg13 : memref<32x1024xf32, #tpu.memory_space<vmem>>) target(%dma_start3A_61 : memref<8448x1024xf32, #tpu.memory_space<hbm>>) offsets(%arg9 : memref<32xi32, #tpu.memory_space<vmem>>) semaphore(%arg17 : memref<!tpu.dma_semaphore, #tpu.memory_space<semaphore_mem>>)
    %dma_wait3A_62 = arith.constant 0 : i32
    %dma_wait3A_63 = arith.constant 0 : i32
    %dma_wait3A_64 = tpu.memref_slice %arg2[%dma_wait3A_62, %dma_wait3A_63] : memref<2048x1024xf32, #tpu.memory_space<hbm>> -> memref<2048x1024xf32, #tpu.memory_space<hbm>>
    tpu.wait_indirect_dma semaphore(%arg16 : memref<!tpu.dma_semaphore, #tpu.memory_space<semaphore_mem>>) src(%dma_wait3A_64 : memref<2048x1024xf32, #tpu.memory_space<hbm>>) dst(%arg14 : memref<32x1024xf32, #tpu.memory_space<vmem>>)
    %dma_start3A_65 = arith.constant 0 : i32
    %dma_start3A_66 = arith.constant 0 : i32
    %dma_start3A_67 = tpu.memref_slice %arg5[%dma_start3A_65, %dma_start3A_66] : memref<8448x1024xf32, #tpu.memory_space<hbm>> -> memref<8448x1024xf32, #tpu.memory_space<hbm>>
    tpu.enqueue_indirect_dma source(%arg14 : memref<32x1024xf32, #tpu.memory_space<vmem>>) target(%dma_start3A_67 : memref<8448x1024xf32, #tpu.memory_space<hbm>>) offsets(%arg10 : memref<32xi32, #tpu.memory_space<vmem>>) semaphore(%arg18 : memref<!tpu.dma_semaphore, #tpu.memory_space<semaphore_mem>>)
    %dma_wait3A_68 = arith.constant 0 : i32
    %dma_wait3A_69 = arith.constant 0 : i32
    %dma_wait3A_70 = tpu.memref_slice %arg5[%dma_wait3A_68, %dma_wait3A_69] : memref<8448x1024xf32, #tpu.memory_space<hbm>> -> memref<8448x1024xf32, #tpu.memory_space<hbm>>
    tpu.wait_indirect_dma semaphore(%arg17 : memref<!tpu.dma_semaphore, #tpu.memory_space<semaphore_mem>>) src(%arg13 : memref<32x1024xf32, #tpu.memory_space<vmem>>) dst(%dma_wait3A_70 : memref<8448x1024xf32, #tpu.memory_space<hbm>>)
    %add3A_71 = arith.constant 64 : i32
    %add3A_72 = arith.addi %mul3A_2, %add3A_71 : i32
    "tpu.region"() ({
      %run_scoped3A = tpu.sem_alloc : memref<!tpu.dma_semaphore, #tpu.memory_space<semaphore_mem>>
      %dma_start3A_150 = tpu.memref_slice %arg3[%add3A_72] : memref<4096xi32, #tpu.memory_space<hbm>> -> memref<32xi32, #tpu.memory_space<hbm>>
      %dma_start3A_151 = tpu.memref_slice %arg3[%add3A_72] : memref<4096xi32, #tpu.memory_space<hbm>> -> memref<32xi32, #tpu.memory_space<hbm>>
      tpu.enqueue_dma source(%dma_start3A_151 : memref<32xi32, #tpu.memory_space<hbm>>) target(%arg9 : memref<32xi32, #tpu.memory_space<vmem>>) target_semaphore(%run_scoped3A : memref<!tpu.dma_semaphore, #tpu.memory_space<semaphore_mem>>)
      %dma_wait3A_152 = tpu.memref_slice %arg3[%add3A_72] : memref<4096xi32, #tpu.memory_space<hbm>> -> memref<32xi32, #tpu.memory_space<hbm>>
      %dma_wait3A_153 = tpu.memref_slice %arg3[%add3A_72] : memref<4096xi32, #tpu.memory_space<hbm>> -> memref<32xi32, #tpu.memory_space<hbm>>
      tpu.wait_dma2 semaphore(%run_scoped3A : memref<!tpu.dma_semaphore, #tpu.memory_space<semaphore_mem>>) src(%dma_wait3A_153 : memref<32xi32, #tpu.memory_space<hbm>>) dst(%arg9 : memref<32xi32, #tpu.memory_space<vmem>>)
      tpu.yield
    }) : () -> ()
    %add3A_73 = arith.constant 0 : i32
    %add3A_74 = arith.addi %add3A_72, %add3A_73 : i32
    %iota3A_75 = tpu.iota {dimensions = array<i32: 0>} : vector<16xi32>
    %add3A_76 = vector.broadcast %add3A_74 : i32 to vector<16xi32>
    %add3A_77 = arith.addi %add3A_76, %iota3A_75 : vector<16xi32>
    %shift_right_arithmetic3A_78 = arith.constant 1 : i32
    %shift_right_arithmetic3A_79 = vector.broadcast %shift_right_arithmetic3A_78 : i32 to vector<16xi32>
    %shift_right_arithmetic3A_80 = arith.shrsi %add3A_77, %shift_right_arithmetic3A_79 : vector<16xi32>
    %swap3A_81 = arith.constant 0 : index
    %swap3A_82 = tpu.vector_load %arg11[%swap3A_81] {strides = array<i32>} : memref<32xi32, #tpu.memory_space<vmem>>, vector<16xi32>,
    %swap3A_83 = vector.shape_cast %swap3A_82 : vector<16xi32> to vector<16xi32>
    %swap3A_84 = vector.shape_cast %shift_right_arithmetic3A_80 : vector<16xi32> to vector<16xi32>
    tpu.vector_store %arg11[%swap3A_81], %swap3A_84 {strides = array<i32>} : memref<32xi32, #tpu.memory_space<vmem>>, vector<16xi32>,
    %add3A_85 = arith.constant 16 : i32
    %add3A_86 = arith.addi %add3A_72, %add3A_85 : i32
    %iota3A_87 = tpu.iota {dimensions = array<i32: 0>} : vector<16xi32>
    %add3A_88 = vector.broadcast %add3A_86 : i32 to vector<16xi32>
    %add3A_89 = arith.addi %add3A_88, %iota3A_87 : vector<16xi32>
    %shift_right_arithmetic3A_90 = arith.constant 1 : i32
    %shift_right_arithmetic3A_91 = vector.broadcast %shift_right_arithmetic3A_90 : i32 to vector<16xi32>
    %shift_right_arithmetic3A_92 = arith.shrsi %add3A_89, %shift_right_arithmetic3A_91 : vector<16xi32>
    %swap3A_93 = arith.constant 16 : index
    %swap3A_94 = tpu.vector_load %arg11[%swap3A_93] {strides = array<i32>} : memref<32xi32, #tpu.memory_space<vmem>>, vector<16xi32>,
    %swap3A_95 = vector.shape_cast %swap3A_94 : vector<16xi32> to vector<16xi32>
    %swap3A_96 = vector.shape_cast %shift_right_arithmetic3A_92 : vector<16xi32> to vector<16xi32>
    tpu.vector_store %arg11[%swap3A_93], %swap3A_96 {strides = array<i32>} : memref<32xi32, #tpu.memory_space<vmem>>, vector<16xi32>,
    %dma_start3A_97 = arith.constant 0 : i32
    %dma_start3A_98 = arith.constant 0 : i32
    %dma_start3A_99 = tpu.memref_slice %arg2[%dma_start3A_97, %dma_start3A_98] : memref<2048x1024xf32, #tpu.memory_space<hbm>> -> memref<2048x1024xf32, #tpu.memory_space<hbm>>
    tpu.enqueue_indirect_dma source(%dma_start3A_99 : memref<2048x1024xf32, #tpu.memory_space<hbm>>) target(%arg13 : memref<32x1024xf32, #tpu.memory_space<vmem>>) offsets(%arg11 : memref<32xi32, #tpu.memory_space<vmem>>) semaphore(%arg15 : memref<!tpu.dma_semaphore, #tpu.memory_space<semaphore_mem>>)
    %dma_wait3A_100 = arith.constant 0 : i32
    %dma_wait3A_101 = arith.constant 0 : i32
    %dma_wait3A_102 = tpu.memref_slice %arg2[%dma_wait3A_100, %dma_wait3A_101] : memref<2048x1024xf32, #tpu.memory_space<hbm>> -> memref<2048x1024xf32, #tpu.memory_space<hbm>>
    tpu.wait_indirect_dma semaphore(%arg15 : memref<!tpu.dma_semaphore, #tpu.memory_space<semaphore_mem>>) src(%dma_wait3A_102 : memref<2048x1024xf32, #tpu.memory_space<hbm>>) dst(%arg13 : memref<32x1024xf32, #tpu.memory_space<vmem>>)
    %dma_start3A_103 = arith.constant 0 : i32
    %dma_start3A_104 = arith.constant 0 : i32
    %dma_start3A_105 = tpu.memref_slice %arg5[%dma_start3A_103, %dma_start3A_104] : memref<8448x1024xf32, #tpu.memory_space<hbm>> -> memref<8448x1024xf32, #tpu.memory_space<hbm>>
    tpu.enqueue_indirect_dma source(%arg13 : memref<32x1024xf32, #tpu.memory_space<vmem>>) target(%dma_start3A_105 : memref<8448x1024xf32, #tpu.memory_space<hbm>>) offsets(%arg9 : memref<32xi32, #tpu.memory_space<vmem>>) semaphore(%arg17 : memref<!tpu.dma_semaphore, #tpu.memory_space<semaphore_mem>>)
    %dma_wait3A_106 = arith.constant 0 : i32
    %dma_wait3A_107 = arith.constant 0 : i32
    %dma_wait3A_108 = tpu.memref_slice %arg5[%dma_wait3A_106, %dma_wait3A_107] : memref<8448x1024xf32, #tpu.memory_space<hbm>> -> memref<8448x1024xf32, #tpu.memory_space<hbm>>
    tpu.wait_indirect_dma semaphore(%arg18 : memref<!tpu.dma_semaphore, #tpu.memory_space<semaphore_mem>>) src(%arg14 : memref<32x1024xf32, #tpu.memory_space<vmem>>) dst(%dma_wait3A_108 : memref<8448x1024xf32, #tpu.memory_space<hbm>>)
    %add3A_109 = arith.constant 96 : i32
    %add3A_110 = arith.addi %mul3A_2, %add3A_109 : i32
    "tpu.region"() ({
      %run_scoped3A = tpu.sem_alloc : memref<!tpu.dma_semaphore, #tpu.memory_space<semaphore_mem>>
      %dma_start3A_150 = tpu.memref_slice %arg3[%add3A_110] : memref<4096xi32, #tpu.memory_space<hbm>> -> memref<32xi32, #tpu.memory_space<hbm>>
      %dma_start3A_151 = tpu.memref_slice %arg3[%add3A_110] : memref<4096xi32, #tpu.memory_space<hbm>> -> memref<32xi32, #tpu.memory_space<hbm>>
      tpu.enqueue_dma source(%dma_start3A_151 : memref<32xi32, #tpu.memory_space<hbm>>) target(%arg10 : memref<32xi32, #tpu.memory_space<vmem>>) target_semaphore(%run_scoped3A : memref<!tpu.dma_semaphore, #tpu.memory_space<semaphore_mem>>)
      %dma_wait3A_152 = tpu.memref_slice %arg3[%add3A_110] : memref<4096xi32, #tpu.memory_space<hbm>> -> memref<32xi32, #tpu.memory_space<hbm>>
      %dma_wait3A_153 = tpu.memref_slice %arg3[%add3A_110] : memref<4096xi32, #tpu.memory_space<hbm>> -> memref<32xi32, #tpu.memory_space<hbm>>
      tpu.wait_dma2 semaphore(%run_scoped3A : memref<!tpu.dma_semaphore, #tpu.memory_space<semaphore_mem>>) src(%dma_wait3A_153 : memref<32xi32, #tpu.memory_space<hbm>>) dst(%arg10 : memref<32xi32, #tpu.memory_space<vmem>>)
      tpu.yield
    }) : () -> ()
    %add3A_111 = arith.constant 0 : i32
    %add3A_112 = arith.addi %add3A_110, %add3A_111 : i32
    %iota3A_113 = tpu.iota {dimensions = array<i32: 0>} : vector<16xi32>
    %add3A_114 = vector.broadcast %add3A_112 : i32 to vector<16xi32>
    %add3A_115 = arith.addi %add3A_114, %iota3A_113 : vector<16xi32>
    %shift_right_arithmetic3A_116 = arith.constant 1 : i32
    %shift_right_arithmetic3A_117 = vector.broadcast %shift_right_arithmetic3A_116 : i32 to vector<16xi32>
    %shift_right_arithmetic3A_118 = arith.shrsi %add3A_115, %shift_right_arithmetic3A_117 : vector<16xi32>
    %swap3A_119 = arith.constant 0 : index
    %swap3A_120 = tpu.vector_load %arg12[%swap3A_119] {strides = array<i32>} : memref<32xi32, #tpu.memory_space<vmem>>, vector<16xi32>,
    %swap3A_121 = vector.shape_cast %swap3A_120 : vector<16xi32> to vector<16xi32>
    %swap3A_122 = vector.shape_cast %shift_right_arithmetic3A_118 : vector<16xi32> to vector<16xi32>
    tpu.vector_store %arg12[%swap3A_119], %swap3A_122 {strides = array<i32>} : memref<32xi32, #tpu.memory_space<vmem>>, vector<16xi32>,
    %add3A_123 = arith.constant 16 : i32
    %add3A_124 = arith.addi %add3A_110, %add3A_123 : i32
    %iota3A_125 = tpu.iota {dimensions = array<i32: 0>} : vector<16xi32>
    %add3A_126 = vector.broadcast %add3A_124 : i32 to vector<16xi32>
    %add3A_127 = arith.addi %add3A_126, %iota3A_125 : vector<16xi32>
    %shift_right_arithmetic3A_128 = arith.constant 1 : i32
    %shift_right_arithmetic3A_129 = vector.broadcast %shift_right_arithmetic3A_128 : i32 to vector<16xi32>
    %shift_right_arithmetic3A_130 = arith.shrsi %add3A_127, %shift_right_arithmetic3A_129 : vector<16xi32>
    %swap3A_131 = arith.constant 16 : index
    %swap3A_132 = tpu.vector_load %arg12[%swap3A_131] {strides = array<i32>} : memref<32xi32, #tpu.memory_space<vmem>>, vector<16xi32>,
    %swap3A_133 = vector.shape_cast %swap3A_132 : vector<16xi32> to vector<16xi32>
    %swap3A_134 = vector.shape_cast %shift_right_arithmetic3A_130 : vector<16xi32> to vector<16xi32>
    tpu.vector_store %arg12[%swap3A_131], %swap3A_134 {strides = array<i32>} : memref<32xi32, #tpu.memory_space<vmem>>, vector<16xi32>,
    %dma_start3A_135 = arith.constant 0 : i32
    %dma_start3A_136 = arith.constant 0 : i32
    %dma_start3A_137 = tpu.memref_slice %arg2[%dma_start3A_135, %dma_start3A_136] : memref<2048x1024xf32, #tpu.memory_space<hbm>> -> memref<2048x1024xf32, #tpu.memory_space<hbm>>
    tpu.enqueue_indirect_dma source(%dma_start3A_137 : memref<2048x1024xf32, #tpu.memory_space<hbm>>) target(%arg14 : memref<32x1024xf32, #tpu.memory_space<vmem>>) offsets(%arg12 : memref<32xi32, #tpu.memory_space<vmem>>) semaphore(%arg16 : memref<!tpu.dma_semaphore, #tpu.memory_space<semaphore_mem>>)
    %dma_wait3A_138 = arith.constant 0 : i32
    %dma_wait3A_139 = arith.constant 0 : i32
    %dma_wait3A_140 = tpu.memref_slice %arg2[%dma_wait3A_138, %dma_wait3A_139] : memref<2048x1024xf32, #tpu.memory_space<hbm>> -> memref<2048x1024xf32, #tpu.memory_space<hbm>>
    tpu.wait_indirect_dma semaphore(%arg16 : memref<!tpu.dma_semaphore, #tpu.memory_space<semaphore_mem>>) src(%dma_wait3A_140 : memref<2048x1024xf32, #tpu.memory_space<hbm>>) dst(%arg14 : memref<32x1024xf32, #tpu.memory_space<vmem>>)
    %dma_start3A_141 = arith.constant 0 : i32
    %dma_start3A_142 = arith.constant 0 : i32
    %dma_start3A_143 = tpu.memref_slice %arg5[%dma_start3A_141, %dma_start3A_142] : memref<8448x1024xf32, #tpu.memory_space<hbm>> -> memref<8448x1024xf32, #tpu.memory_space<hbm>>
    tpu.enqueue_indirect_dma source(%arg14 : memref<32x1024xf32, #tpu.memory_space<vmem>>) target(%dma_start3A_143 : memref<8448x1024xf32, #tpu.memory_space<hbm>>) offsets(%arg10 : memref<32xi32, #tpu.memory_space<vmem>>) semaphore(%arg18 : memref<!tpu.dma_semaphore, #tpu.memory_space<semaphore_mem>>)
    %dma_wait3A_144 = arith.constant 0 : i32
    %dma_wait3A_145 = arith.constant 0 : i32
    %dma_wait3A_146 = tpu.memref_slice %arg5[%dma_wait3A_144, %dma_wait3A_145] : memref<8448x1024xf32, #tpu.memory_space<hbm>> -> memref<8448x1024xf32, #tpu.memory_space<hbm>>
    tpu.wait_indirect_dma semaphore(%arg17 : memref<!tpu.dma_semaphore, #tpu.memory_space<semaphore_mem>>) src(%arg13 : memref<32x1024xf32, #tpu.memory_space<vmem>>) dst(%dma_wait3A_146 : memref<8448x1024xf32, #tpu.memory_space<hbm>>)
    %dma_wait3A_147 = arith.constant 0 : i32
    %dma_wait3A_148 = arith.constant 0 : i32
    %dma_wait3A_149 = tpu.memref_slice %arg5[%dma_wait3A_147, %dma_wait3A_148] : memref<8448x1024xf32, #tpu.memory_space<hbm>> -> memref<8448x1024xf32, #tpu.memory_space<hbm>>
    tpu.wait_indirect_dma semaphore(%arg18 : memref<!tpu.dma_semaphore, #tpu.memory_space<semaphore_mem>>) src(%arg14 : memref<32x1024xf32, #tpu.memory_space<vmem>>) dst(%dma_wait3A_149 : memref<8448x1024xf32, #tpu.memory_space<hbm>>)
    return
  }
}

module attributes {stable_mosaic.version = 14 : i64} {
  func.func @_router_body(%arg0: memref<2048x1024xf32, #tpu.memory_space<vmem>>, %arg1: memref<1024x16xf32, #tpu.memory_space<vmem>>, %arg2: memref<2048x2xi32, #tpu.memory_space<vmem>>, %arg3: memref<2048x256xf32, #tpu.memory_space<vmem>>, %arg4: memref<66x1xi32, #tpu.memory_space<vmem>>) attributes {dimension_semantics = [], scalar_prefetch = 0 : i64, scratch_operands = 0 : i64, tpu.core_type = #tpu.core_type<tc>} {
    %get3A = arith.constant 0 : index
    %get3A_0 = arith.constant 0 : index
    %get3A_1 = vector.load %arg0[%get3A, %get3A_0] : memref<2048x1024xf32, #tpu.memory_space<vmem>>, vector<2048x1024xf32>
    %get3A_2 = arith.constant 0 : index
    %get3A_3 = arith.constant 0 : index
    %get3A_4 = vector.load %arg1[%get3A_2, %get3A_3] : memref<1024x16xf32, #tpu.memory_space<vmem>>, vector<1024x16xf32>
    %dot_general3A = arith.constant dense<0.000000e+00> : vector<2048x16xf32>
    %dot_general3A_5 = tpu.matmul %get3A_1, %get3A_4, %dot_general3A {dimension_numbers = #tpu.dot_dimension_numbers<[1], [0], [0], [1], [0, 0, 1, 1], [], []>, transpose_lhs_hint = false} : vector<2048x1024xf32>, vector<1024x16xf32>, vector<2048x16xf32> -> vector<2048x16xf32>
    %reduce_max3A = arith.constant dense<0xFF800000> : vector<2048xf32>
    %reduce_max3A_6 = vector.multi_reduction <maximumf>, %dot_general3A_5, %reduce_max3A [1] : vector<2048x16xf32> to vector<2048xf32>
    %broadcast_in_dim3A = vector.shape_cast %reduce_max3A_6 : vector<2048xf32> to vector<2048x1xf32>
    %sub3A = vector.broadcast %broadcast_in_dim3A : vector<2048x1xf32> to vector<2048x16xf32>
    %sub3A_7 = arith.subf %dot_general3A_5, %sub3A : vector<2048x16xf32>
    %exp3A = math.exp %sub3A_7 : vector<2048x16xf32>
    %reduce_sum3A = arith.constant dense<0.000000e+00> : vector<2048xf32>
    %reduce_sum3A_8 = vector.multi_reduction <add>, %exp3A, %reduce_sum3A [1] : vector<2048x16xf32> to vector<2048xf32>
    %broadcast_in_dim3A_9 = vector.shape_cast %reduce_sum3A_8 : vector<2048xf32> to vector<2048x1xf32>
    %div3A = vector.broadcast %broadcast_in_dim3A_9 : vector<2048x1xf32> to vector<2048x16xf32>
    %div3A_10 = arith.divf %exp3A, %div3A : vector<2048x16xf32>
    %iota3A = tpu.iota {dimensions = array<i32: 1>} : vector<2048x16xi32>
    %reduce_max3A_11 = arith.constant dense<0xFF800000> : vector<2048xf32>
    %reduce_max3A_12 = vector.multi_reduction <maximumf>, %div3A_10, %reduce_max3A_11 [1] : vector<2048x16xf32> to vector<2048xf32>
    %broadcast_in_dim3A_13 = vector.shape_cast %reduce_max3A_12 : vector<2048xf32> to vector<2048x1xf32>
    %eq3A = vector.broadcast %broadcast_in_dim3A_13 : vector<2048x1xf32> to vector<2048x16xf32>
    %eq3A_14 = arith.cmpf oeq, %div3A_10, %eq3A : vector<2048x16xf32>
    %jit3A = arith.constant 16 : i32
    %broadcast_in_dim3A_15 = vector.broadcast %jit3A : i32 to vector<2048x16xi32>
    %select_n3A = arith.select %eq3A_14, %iota3A, %broadcast_in_dim3A_15 : vector<2048x16xi1>, vector<2048x16xi32>
    %reduce_min3A = arith.constant dense<2147483647> : vector<2048xi32>
    %reduce_min3A_16 = vector.multi_reduction <minsi>, %select_n3A, %reduce_min3A [1] : vector<2048x16xi32> to vector<2048xi32>
    %broadcast_in_dim3A_17 = vector.shape_cast %reduce_min3A_16 : vector<2048xi32> to vector<2048x1xi32>
    %eq3A_18 = vector.broadcast %broadcast_in_dim3A_17 : vector<2048x1xi32> to vector<2048x16xi32>
    %eq3A_19 = arith.cmpi eq, %iota3A, %eq3A_18 : vector<2048x16xi32>
    %jit3A_20 = arith.constant -1.000000e+00 : f32
    %broadcast_in_dim3A_21 = vector.broadcast %jit3A_20 : f32 to vector<2048x16xf32>
    %select_n3A_22 = arith.select %eq3A_19, %broadcast_in_dim3A_21, %div3A_10 : vector<2048x16xi1>, vector<2048x16xf32>
    %reduce_max3A_23 = arith.constant dense<0xFF800000> : vector<2048xf32>
    %reduce_max3A_24 = vector.multi_reduction <maximumf>, %select_n3A_22, %reduce_max3A_23 [1] : vector<2048x16xf32> to vector<2048xf32>
    %broadcast_in_dim3A_25 = vector.shape_cast %reduce_max3A_24 : vector<2048xf32> to vector<2048x1xf32>
    %eq3A_26 = vector.broadcast %broadcast_in_dim3A_25 : vector<2048x1xf32> to vector<2048x16xf32>
    %eq3A_27 = arith.cmpf oeq, %select_n3A_22, %eq3A_26 : vector<2048x16xf32>
    %jit3A_28 = arith.constant 16 : i32
    %broadcast_in_dim3A_29 = vector.broadcast %jit3A_28 : i32 to vector<2048x16xi32>
    %select_n3A_30 = arith.select %eq3A_27, %iota3A, %broadcast_in_dim3A_29 : vector<2048x16xi1>, vector<2048x16xi32>
    %reduce_min3A_31 = arith.constant dense<2147483647> : vector<2048xi32>
    %reduce_min3A_32 = vector.multi_reduction <minsi>, %select_n3A_30, %reduce_min3A_31 [1] : vector<2048x16xi32> to vector<2048xi32>
    %broadcast_in_dim3A_33 = vector.shape_cast %reduce_min3A_32 : vector<2048xi32> to vector<2048x1xi32>
    %eq3A_34 = vector.broadcast %broadcast_in_dim3A_17 : vector<2048x1xi32> to vector<2048x16xi32>
    %eq3A_35 = arith.cmpi eq, %iota3A, %eq3A_34 : vector<2048x16xi32>
    %convert_element_type3A = arith.extui %eq3A_35 : vector<2048x16xi1> to vector<2048x16xi32>
    %convert_element_type3A_36 = arith.sitofp %convert_element_type3A : vector<2048x16xi32> to vector<2048x16xf32>
    %eq3A_37 = vector.broadcast %broadcast_in_dim3A_33 : vector<2048x1xi32> to vector<2048x16xi32>
    %eq3A_38 = arith.cmpi eq, %iota3A, %eq3A_37 : vector<2048x16xi32>
    %convert_element_type3A_39 = arith.extui %eq3A_38 : vector<2048x16xi1> to vector<2048x16xi32>
    %convert_element_type3A_40 = arith.sitofp %convert_element_type3A_39 : vector<2048x16xi32> to vector<2048x16xf32>
    %add3A = arith.addf %convert_element_type3A_36, %convert_element_type3A_40 : vector<2048x16xf32>
    %broadcast_in_dim3A_41 = arith.constant 0.000000e+00 : f32
    %broadcast_in_dim3A_42 = vector.broadcast %broadcast_in_dim3A_41 : f32 to vector<1x16xf32>
    %iota3A_43 = tpu.iota {dimensions = array<i32: 0>} : vector<512x512xi32>
    %iota3A_44 = tpu.iota {dimensions = array<i32: 1>} : vector<512x512xi32>
    %lt3A = arith.cmpi slt, %iota3A_44, %iota3A_43 : vector<512x512xi32>
    %convert_element_type3A_45 = arith.extui %lt3A : vector<512x512xi1> to vector<512x512xi32>
    %convert_element_type3A_46 = arith.sitofp %convert_element_type3A_45 : vector<512x512xi32> to vector<512x512xf32>
    %slice3A = vector.extract_strided_slice %add3A {offsets = [0, 0], sizes = [512, 16], strides = [1, 1]} : vector<2048x16xf32> to vector<512x16xf32>
    %dot_general3A_47 = arith.constant dense<0.000000e+00> : vector<512x16xf32>
    %dot_general3A_48 = tpu.matmul %convert_element_type3A_46, %slice3A, %dot_general3A_47 {dimension_numbers = #tpu.dot_dimension_numbers<[1], [0], [0], [1], [0, 0, 1, 1], [], []>, transpose_lhs_hint = false} : vector<512x512xf32>, vector<512x16xf32>, vector<512x16xf32> -> vector<512x16xf32>
    %add3A_49 = vector.broadcast %broadcast_in_dim3A_42 : vector<1x16xf32> to vector<512x16xf32>
    %add3A_50 = arith.addf %dot_general3A_48, %add3A_49 : vector<512x16xf32>
    %reduce_sum3A_51 = arith.constant dense<0.000000e+00> : vector<16xf32>
    %reduce_sum3A_52 = vector.multi_reduction <add>, %slice3A, %reduce_sum3A_51 [0] : vector<512x16xf32> to vector<16xf32>
    %broadcast_in_dim3A_53 = vector.shape_cast %reduce_sum3A_52 : vector<16xf32> to vector<1x16xf32>
    %add3A_54 = arith.addf %broadcast_in_dim3A_42, %broadcast_in_dim3A_53 : vector<1x16xf32>
    %slice3A_55 = vector.extract_strided_slice %add3A {offsets = [512, 0], sizes = [512, 16], strides = [1, 1]} : vector<2048x16xf32> to vector<512x16xf32>
    %dot_general3A_56 = arith.constant dense<0.000000e+00> : vector<512x16xf32>
    %dot_general3A_57 = tpu.matmul %convert_element_type3A_46, %slice3A_55, %dot_general3A_56 {dimension_numbers = #tpu.dot_dimension_numbers<[1], [0], [0], [1], [0, 0, 1, 1], [], []>, transpose_lhs_hint = false} : vector<512x512xf32>, vector<512x16xf32>, vector<512x16xf32> -> vector<512x16xf32>
    %add3A_58 = vector.broadcast %add3A_54 : vector<1x16xf32> to vector<512x16xf32>
    %add3A_59 = arith.addf %dot_general3A_57, %add3A_58 : vector<512x16xf32>
    %reduce_sum3A_60 = arith.constant dense<0.000000e+00> : vector<16xf32>
    %reduce_sum3A_61 = vector.multi_reduction <add>, %slice3A_55, %reduce_sum3A_60 [0] : vector<512x16xf32> to vector<16xf32>
    %broadcast_in_dim3A_62 = vector.shape_cast %reduce_sum3A_61 : vector<16xf32> to vector<1x16xf32>
    %add3A_63 = arith.addf %add3A_54, %broadcast_in_dim3A_62 : vector<1x16xf32>
    %slice3A_64 = vector.extract_strided_slice %add3A {offsets = [1024, 0], sizes = [512, 16], strides = [1, 1]} : vector<2048x16xf32> to vector<512x16xf32>
    %dot_general3A_65 = arith.constant dense<0.000000e+00> : vector<512x16xf32>
    %dot_general3A_66 = tpu.matmul %convert_element_type3A_46, %slice3A_64, %dot_general3A_65 {dimension_numbers = #tpu.dot_dimension_numbers<[1], [0], [0], [1], [0, 0, 1, 1], [], []>, transpose_lhs_hint = false} : vector<512x512xf32>, vector<512x16xf32>, vector<512x16xf32> -> vector<512x16xf32>
    %add3A_67 = vector.broadcast %add3A_63 : vector<1x16xf32> to vector<512x16xf32>
    %add3A_68 = arith.addf %dot_general3A_66, %add3A_67 : vector<512x16xf32>
    %reduce_sum3A_69 = arith.constant dense<0.000000e+00> : vector<16xf32>
    %reduce_sum3A_70 = vector.multi_reduction <add>, %slice3A_64, %reduce_sum3A_69 [0] : vector<512x16xf32> to vector<16xf32>
    %broadcast_in_dim3A_71 = vector.shape_cast %reduce_sum3A_70 : vector<16xf32> to vector<1x16xf32>
    %add3A_72 = arith.addf %add3A_63, %broadcast_in_dim3A_71 : vector<1x16xf32>
    %slice3A_73 = vector.extract_strided_slice %add3A {offsets = [1536, 0], sizes = [512, 16], strides = [1, 1]} : vector<2048x16xf32> to vector<512x16xf32>
    %dot_general3A_74 = arith.constant dense<0.000000e+00> : vector<512x16xf32>
    %dot_general3A_75 = tpu.matmul %convert_element_type3A_46, %slice3A_73, %dot_general3A_74 {dimension_numbers = #tpu.dot_dimension_numbers<[1], [0], [0], [1], [0, 0, 1, 1], [], []>, transpose_lhs_hint = false} : vector<512x512xf32>, vector<512x16xf32>, vector<512x16xf32> -> vector<512x16xf32>
    %add3A_76 = vector.broadcast %add3A_72 : vector<1x16xf32> to vector<512x16xf32>
    %add3A_77 = arith.addf %dot_general3A_75, %add3A_76 : vector<512x16xf32>
    %reduce_sum3A_78 = arith.constant dense<0.000000e+00> : vector<16xf32>
    %reduce_sum3A_79 = vector.multi_reduction <add>, %slice3A_73, %reduce_sum3A_78 [0] : vector<512x16xf32> to vector<16xf32>
    %broadcast_in_dim3A_80 = vector.shape_cast %reduce_sum3A_79 : vector<16xf32> to vector<1x16xf32>
    %add3A_81 = arith.addf %add3A_72, %broadcast_in_dim3A_80 : vector<1x16xf32>
    %concatenate3A = tpu.concatenate %add3A_50, %add3A_59, %add3A_68, %add3A_77 in 0 : vector<512x16xf32>, vector<512x16xf32>, vector<512x16xf32>, vector<512x16xf32> -> vector<2048x16xf32>
    %min3A = arith.constant 5.120000e+02 : f32
    %min3A_82 = vector.broadcast %min3A : f32 to vector<1x16xf32>
    %min3A_83 = arith.minimumf %add3A_81, %min3A_82 : vector<1x16xf32>
    %div3A_84 = arith.constant 2.560000e+02 : f32
    %div3A_85 = vector.broadcast %div3A_84 : f32 to vector<1x16xf32>
    %div3A_86 = arith.divf %min3A_83, %div3A_85 : vector<1x16xf32>
    %ceil3A = math.ceil %div3A_86 : vector<1x16xf32>
    %iota3A_87 = tpu.iota {dimensions = array<i32: 1>} : vector<1x16xi32>
    %iota3A_88 = tpu.iota {dimensions = array<i32: 0>} : vector<16x16xi32>
    %iota3A_89 = tpu.iota {dimensions = array<i32: 1>} : vector<16x16xi32>
    %lt3A_90 = arith.cmpi slt, %iota3A_88, %iota3A_89 : vector<16x16xi32>
    %convert_element_type3A_91 = arith.extui %lt3A_90 : vector<16x16xi1> to vector<16x16xi32>
    %convert_element_type3A_92 = arith.sitofp %convert_element_type3A_91 : vector<16x16xi32> to vector<16x16xf32>
    %dot_general3A_93 = arith.constant dense<0.000000e+00> : vector<1x16xf32>
    %dot_general3A_94 = tpu.matmul %ceil3A, %convert_element_type3A_92, %dot_general3A_93 {dimension_numbers = #tpu.dot_dimension_numbers<[1], [0], [0], [1], [0, 0, 1, 1], [], []>, transpose_lhs_hint = false} : vector<1x16xf32>, vector<16x16xf32>, vector<1x16xf32> -> vector<1x16xf32>
    %reduce_sum3A_95 = vector.shape_cast %ceil3A : vector<1x16xf32> to vector<1x1x16xf32>
    %reduce_sum3A_96 = arith.constant dense<0.000000e+00> : vector<1xf32>
    %reduce_sum3A_97 = vector.multi_reduction <add>, %reduce_sum3A_95, %reduce_sum3A_96 [1, 2] : vector<1x1x16xf32> to vector<1xf32>
    %reduce_sum3A_98 = vector.shape_cast %reduce_sum3A_97 : vector<1xf32> to vector<1x1x1xf32>
    %reduce_sum3A_99 = vector.extract %reduce_sum3A_98[0, 0, 0] : f32 from vector<1x1x1xf32>
    %mul3A = arith.constant 2.560000e+02 : f32
    %mul3A_100 = vector.broadcast %mul3A : f32 to vector<1x16xf32>
    %mul3A_101 = arith.mulf %mul3A_100, %dot_general3A_94 : vector<1x16xf32>
    %eq3A_102 = vector.broadcast %broadcast_in_dim3A_17 : vector<2048x1xi32> to vector<2048x16xi32>
    %eq3A_103 = arith.cmpi eq, %iota3A, %eq3A_102 : vector<2048x16xi32>
    %jit3A_104 = arith.constant 0.000000e+00 : f32
    %broadcast_in_dim3A_105 = vector.broadcast %jit3A_104 : f32 to vector<2048x16xf32>
    %select_n3A_106 = arith.select %eq3A_103, %concatenate3A, %broadcast_in_dim3A_105 : vector<2048x16xi1>, vector<2048x16xf32>
    %reduce_sum3A_107 = arith.constant dense<0.000000e+00> : vector<2048xf32>
    %reduce_sum3A_108 = vector.multi_reduction <add>, %select_n3A_106, %reduce_sum3A_107 [1] : vector<2048x16xf32> to vector<2048xf32>
    %broadcast_in_dim3A_109 = vector.shape_cast %reduce_sum3A_108 : vector<2048xf32> to vector<2048x1xf32>
    %eq3A_110 = vector.broadcast %broadcast_in_dim3A_33 : vector<2048x1xi32> to vector<2048x16xi32>
    %eq3A_111 = arith.cmpi eq, %iota3A, %eq3A_110 : vector<2048x16xi32>
    %jit3A_112 = arith.constant 0.000000e+00 : f32
    %broadcast_in_dim3A_113 = vector.broadcast %jit3A_112 : f32 to vector<2048x16xf32>
    %select_n3A_114 = arith.select %eq3A_111, %concatenate3A, %broadcast_in_dim3A_113 : vector<2048x16xi1>, vector<2048x16xf32>
    %reduce_sum3A_115 = arith.constant dense<0.000000e+00> : vector<2048xf32>
    %reduce_sum3A_116 = vector.multi_reduction <add>, %select_n3A_114, %reduce_sum3A_115 [1] : vector<2048x16xf32> to vector<2048xf32>
    %broadcast_in_dim3A_117 = vector.shape_cast %reduce_sum3A_116 : vector<2048xf32> to vector<2048x1xf32>
    %eq3A_118 = vector.broadcast %broadcast_in_dim3A_17 : vector<2048x1xi32> to vector<2048x16xi32>
    %eq3A_119 = arith.cmpi eq, %iota3A, %eq3A_118 : vector<2048x16xi32>
    %jit3A_120 = arith.constant 0.000000e+00 : f32
    %broadcast_in_dim3A_121 = vector.shape_cast %mul3A_101 : vector<1x16xf32> to vector<1x16xf32>
    %broadcast_in_dim3A_122 = vector.broadcast %broadcast_in_dim3A_121 : vector<1x16xf32> to vector<2048x16xf32>
    %broadcast_in_dim3A_123 = vector.broadcast %jit3A_120 : f32 to vector<2048x16xf32>
    %select_n3A_124 = arith.select %eq3A_119, %broadcast_in_dim3A_122, %broadcast_in_dim3A_123 : vector<2048x16xi1>, vector<2048x16xf32>
    %reduce_sum3A_125 = arith.constant dense<0.000000e+00> : vector<2048xf32>
    %reduce_sum3A_126 = vector.multi_reduction <add>, %select_n3A_124, %reduce_sum3A_125 [1] : vector<2048x16xf32> to vector<2048xf32>
    %broadcast_in_dim3A_127 = vector.shape_cast %reduce_sum3A_126 : vector<2048xf32> to vector<2048x1xf32>
    %eq3A_128 = vector.broadcast %broadcast_in_dim3A_33 : vector<2048x1xi32> to vector<2048x16xi32>
    %eq3A_129 = arith.cmpi eq, %iota3A, %eq3A_128 : vector<2048x16xi32>
    %jit3A_130 = arith.constant 0.000000e+00 : f32
    %broadcast_in_dim3A_131 = vector.shape_cast %mul3A_101 : vector<1x16xf32> to vector<1x16xf32>
    %broadcast_in_dim3A_132 = vector.broadcast %broadcast_in_dim3A_131 : vector<1x16xf32> to vector<2048x16xf32>
    %broadcast_in_dim3A_133 = vector.broadcast %jit3A_130 : f32 to vector<2048x16xf32>
    %select_n3A_134 = arith.select %eq3A_129, %broadcast_in_dim3A_132, %broadcast_in_dim3A_133 : vector<2048x16xi1>, vector<2048x16xf32>
    %reduce_sum3A_135 = arith.constant dense<0.000000e+00> : vector<2048xf32>
    %reduce_sum3A_136 = vector.multi_reduction <add>, %select_n3A_134, %reduce_sum3A_135 [1] : vector<2048x16xf32> to vector<2048xf32>
    %broadcast_in_dim3A_137 = vector.shape_cast %reduce_sum3A_136 : vector<2048xf32> to vector<2048x1xf32>
    %lt3A_138 = arith.constant 5.120000e+02 : f32
    %lt3A_139 = vector.broadcast %lt3A_138 : f32 to vector<2048x1xf32>
    %lt3A_140 = arith.cmpf olt, %broadcast_in_dim3A_109, %lt3A_139 : vector<2048x1xf32>
    %lt3A_141 = arith.constant 5.120000e+02 : f32
    %lt3A_142 = vector.broadcast %lt3A_141 : f32 to vector<2048x1xf32>
    %lt3A_143 = arith.cmpf olt, %broadcast_in_dim3A_117, %lt3A_142 : vector<2048x1xf32>
    %add3A_144 = arith.addf %broadcast_in_dim3A_127, %broadcast_in_dim3A_109 : vector<2048x1xf32>
    %jit3A_145 = arith.constant 8.192000e+03 : f32
    %broadcast_in_dim3A_146 = vector.broadcast %jit3A_145 : f32 to vector<2048x1xf32>
    %select_n3A_147 = arith.select %lt3A_140, %add3A_144, %broadcast_in_dim3A_146 : vector<2048x1xi1>, vector<2048x1xf32>
    %convert_element_type3A_148 = arith.fptosi %select_n3A_147 : vector<2048x1xf32> to vector<2048x1xi32>
    %add3A_149 = arith.addf %broadcast_in_dim3A_137, %broadcast_in_dim3A_117 : vector<2048x1xf32>
    %jit3A_150 = arith.constant 8.192000e+03 : f32
    %broadcast_in_dim3A_151 = vector.broadcast %jit3A_150 : f32 to vector<2048x1xf32>
    %select_n3A_152 = arith.select %lt3A_143, %add3A_149, %broadcast_in_dim3A_151 : vector<2048x1xi1>, vector<2048x1xf32>
    %convert_element_type3A_153 = arith.fptosi %select_n3A_152 : vector<2048x1xf32> to vector<2048x1xi32>
    %iota3A_154 = tpu.iota {dimensions = array<i32: 1>} : vector<2048x2xi32>
    %eq3A_155 = arith.constant 0 : i32
    %eq3A_156 = vector.broadcast %eq3A_155 : i32 to vector<2048x2xi32>
    %eq3A_157 = arith.cmpi eq, %iota3A_154, %eq3A_156 : vector<2048x2xi32>
    %broadcast_in_dim3A_158 = vector.shape_cast %convert_element_type3A_148 : vector<2048x1xi32> to vector<2048x1xi32>
    %broadcast_in_dim3A_159 = vector.broadcast %broadcast_in_dim3A_158 : vector<2048x1xi32> to vector<2048x2xi32>
    %broadcast_in_dim3A_160 = vector.shape_cast %convert_element_type3A_153 : vector<2048x1xi32> to vector<2048x1xi32>
    %broadcast_in_dim3A_161 = vector.broadcast %broadcast_in_dim3A_160 : vector<2048x1xi32> to vector<2048x2xi32>
    %select_n3A_162 = arith.select %eq3A_157, %broadcast_in_dim3A_159, %broadcast_in_dim3A_161 : vector<2048x2xi1>, vector<2048x2xi32>
    %swap3A = arith.constant 0 : index
    %swap3A_163 = arith.constant 0 : index
    %swap3A_164 = vector.load %arg2[%swap3A, %swap3A_163] : memref<2048x2xi32, #tpu.memory_space<vmem>>, vector<2048x2xi32>
    tpu.vector_store %arg2[%swap3A, %swap3A_163], %select_n3A_162 {strides = array<i32>} : memref<2048x2xi32, #tpu.memory_space<vmem>>, vector<2048x2xi32>,
    %jit3A_165 = arith.constant 0.000000e+00 : f32
    %broadcast_in_dim3A_166 = vector.broadcast %jit3A_165 : f32 to vector<2048x1xf32>
    %select_n3A_167 = arith.select %lt3A_140, %broadcast_in_dim3A_13, %broadcast_in_dim3A_166 : vector<2048x1xi1>, vector<2048x1xf32>
    %jit3A_168 = arith.constant 0.000000e+00 : f32
    %broadcast_in_dim3A_169 = vector.broadcast %jit3A_168 : f32 to vector<2048x1xf32>
    %select_n3A_170 = arith.select %lt3A_143, %broadcast_in_dim3A_25, %broadcast_in_dim3A_169 : vector<2048x1xi1>, vector<2048x1xf32>
    %iota3A_171 = tpu.iota {dimensions = array<i32: 1>} : vector<2048x256xi32>
    %lt3A_172 = arith.constant 128 : i32
    %lt3A_173 = vector.broadcast %lt3A_172 : i32 to vector<2048x256xi32>
    %lt3A_174 = arith.cmpi slt, %iota3A_171, %lt3A_173 : vector<2048x256xi32>
    %broadcast_in_dim3A_175 = vector.shape_cast %select_n3A_167 : vector<2048x1xf32> to vector<2048x1xf32>
    %broadcast_in_dim3A_176 = vector.broadcast %broadcast_in_dim3A_175 : vector<2048x1xf32> to vector<2048x256xf32>
    %broadcast_in_dim3A_177 = vector.shape_cast %select_n3A_170 : vector<2048x1xf32> to vector<2048x1xf32>
    %broadcast_in_dim3A_178 = vector.broadcast %broadcast_in_dim3A_177 : vector<2048x1xf32> to vector<2048x256xf32>
    %select_n3A_179 = arith.select %lt3A_174, %broadcast_in_dim3A_176, %broadcast_in_dim3A_178 : vector<2048x256xi1>, vector<2048x256xf32>
    %swap3A_180 = arith.constant 0 : index
    %swap3A_181 = arith.constant 0 : index
    %swap3A_182 = vector.load %arg3[%swap3A_180, %swap3A_181] : memref<2048x256xf32, #tpu.memory_space<vmem>>, vector<2048x256xf32>
    tpu.vector_store %arg3[%swap3A_180, %swap3A_181], %select_n3A_179 {strides = array<i32>} : memref<2048x256xf32, #tpu.memory_space<vmem>>, vector<2048x256xf32>,
    %iota3A_183 = tpu.iota {dimensions = array<i32: 0>} : vector<33x16xi32>
    %convert_element_type3A_184 = arith.sitofp %iota3A_183 : vector<33x16xi32> to vector<33x16xf32>
    %ge3A = vector.broadcast %dot_general3A_94 : vector<1x16xf32> to vector<33x16xf32>
    %ge3A_185 = arith.cmpf oge, %convert_element_type3A_184, %ge3A : vector<33x16xf32>
    %add3A_186 = arith.addf %dot_general3A_94, %ceil3A : vector<1x16xf32>
    %lt3A_187 = vector.broadcast %add3A_186 : vector<1x16xf32> to vector<33x16xf32>
    %lt3A_188 = arith.cmpf olt, %convert_element_type3A_184, %lt3A_187 : vector<33x16xf32>
    %and3A = arith.andi %ge3A_185, %lt3A_188 : vector<33x16xi1>
    %iota3A_189 = tpu.iota {dimensions = array<i32: 1>} : vector<33x16xi32>
    %jit3A_190 = arith.constant 0 : i32
    %broadcast_in_dim3A_191 = vector.broadcast %jit3A_190 : i32 to vector<33x16xi32>
    %select_n3A_192 = arith.select %and3A, %iota3A_189, %broadcast_in_dim3A_191 : vector<33x16xi1>, vector<33x16xi32>
    %reduce_sum3A_193 = arith.constant dense<0> : vector<33xi32>
    %reduce_sum3A_194 = vector.multi_reduction <add>, %select_n3A_192, %reduce_sum3A_193 [1] : vector<33x16xi32> to vector<33xi32>
    %broadcast_in_dim3A_195 = vector.shape_cast %reduce_sum3A_194 : vector<33xi32> to vector<33x1xi32>
    %gt3A = arith.constant 0.000000e+00 : f32
    %gt3A_196 = vector.broadcast %gt3A : f32 to vector<1x16xf32>
    %gt3A_197 = arith.cmpf ogt, %ceil3A, %gt3A_196 : vector<1x16xf32>
    %jit3A_198 = arith.constant -1 : i32
    %broadcast_in_dim3A_199 = vector.broadcast %jit3A_198 : i32 to vector<1x16xi32>
    %select_n3A_200 = arith.select %gt3A_197, %iota3A_87, %broadcast_in_dim3A_199 : vector<1x16xi1>, vector<1x16xi32>
    %reduce_max3A_201 = vector.shape_cast %select_n3A_200 : vector<1x16xi32> to vector<1x1x16xi32>
    %reduce_max3A_202 = arith.constant dense<-2147483648> : vector<1xi32>
    %reduce_max3A_203 = vector.multi_reduction <maxsi>, %reduce_max3A_201, %reduce_max3A_202 [1, 2] : vector<1x1x16xi32> to vector<1xi32>
    %reduce_max3A_204 = vector.shape_cast %reduce_max3A_203 : vector<1xi32> to vector<1x1x1xi32>
    %reduce_max3A_205 = vector.extract %reduce_max3A_204[0, 0, 0] : i32 from vector<1x1x1xi32>
    %iota3A_206 = tpu.iota {dimensions = array<i32: 0>} : vector<33x1xi32>
    %convert_element_type3A_207 = arith.sitofp %iota3A_206 : vector<33x1xi32> to vector<33x1xf32>
    %lt3A_208 = vector.broadcast %reduce_sum3A_99 : f32 to vector<33x1xf32>
    %lt3A_209 = arith.cmpf olt, %convert_element_type3A_207, %lt3A_208 : vector<33x1xf32>
    %broadcast_in_dim3A_210 = vector.broadcast %reduce_max3A_205 : i32 to vector<33x1xi32>
    %select_n3A_211 = arith.select %lt3A_209, %broadcast_in_dim3A_195, %broadcast_in_dim3A_210 : vector<33x1xi1>, vector<33x1xi32>
    %broadcast_in_dim3A_212 = vector.broadcast %reduce_sum3A_99 : f32 to vector<33x1xf32>
    %convert_element_type3A_213 = arith.fptosi %broadcast_in_dim3A_212 : vector<33x1xf32> to vector<33x1xi32>
    %concatenate3A_214 = tpu.concatenate %select_n3A_211, %convert_element_type3A_213 in 0 : vector<33x1xi32>, vector<33x1xi32> -> vector<66x1xi32>
    %swap3A_215 = arith.constant 0 : index
    %swap3A_216 = arith.constant 0 : index
    %swap3A_217 = vector.load %arg4[%swap3A_215, %swap3A_216] : memref<66x1xi32, #tpu.memory_space<vmem>>, vector<66x1xi32>
    tpu.vector_store %arg4[%swap3A_215, %swap3A_216], %concatenate3A_214 {strides = array<i32>} : memref<66x1xi32, #tpu.memory_space<vmem>>, vector<66x1xi32>,
    return
  }
}

module attributes {stable_mosaic.version = 14 : i64} {
  func.func @_ffn_body(%arg0: i32, %arg1: i32, %arg2: memref<66xi32, #tpu.memory_space<smem>>, %arg3: memref<256x1024xf32, #tpu.memory_space<vmem>>, %arg4: memref<1024x1024xf32, #tpu.memory_space<vmem>>, %arg5: memref<1024x1024xf32, #tpu.memory_space<vmem>>, %arg6: memref<256x128xf32, #tpu.memory_space<vmem>>, %arg7: memref<256x1024xf32, #tpu.memory_space<vmem>>) attributes {dimension_semantics = [#tpu.dimension_semantics<arbitrary>, #tpu.dimension_semantics<arbitrary>], iteration_bounds = array<i64: 33, 2>, scalar_prefetch = 1 : i64, scratch_operands = 0 : i64, tpu.core_type = #tpu.core_type<tc>, window_params = [{transform_indices = @transform_0, window_bounds = array<i64: 256, 1024>}, {transform_indices = @transform_1, window_bounds = array<i64: 1024, 1024>}, {transform_indices = @transform_2, window_bounds = array<i64: 1024, 1024>}, {transform_indices = @transform_3, window_bounds = array<i64: 256, 128>}, {transform_indices = @transform_4, window_bounds = array<i64: 256, 1024>}]} {
    %get3A = arith.constant 33 : index
    %get3A_0 = memref.load %arg2[%get3A] : memref<66xi32, #tpu.memory_space<smem>>
    %lt3A = arith.cmpi slt, %arg0, %get3A_0 : i32
    %convert_element_type3A = arith.extui %lt3A : i1 to i32
    %cond3A = arith.constant 0 : i32
    %cond3A_1 = arith.cmpi ne, %convert_element_type3A, %cond3A : i32
    scf.if %cond3A_1 {
      %get3A_6 = arith.constant 0 : index
      %get3A_7 = arith.constant 0 : index
      %get3A_8 = vector.load %arg3[%get3A_6, %get3A_7] : memref<256x1024xf32, #tpu.memory_space<vmem>>, vector<256x1024xf32>
      %convert_element_type3A_9 = arith.truncf %get3A_8 : vector<256x1024xf32> to vector<256x1024xbf16>
      %get3A_10 = arith.constant 0 : index
      %get3A_11 = arith.constant 0 : index
      %get3A_12 = vector.load %arg4[%get3A_10, %get3A_11] : memref<1024x1024xf32, #tpu.memory_space<vmem>>, vector<1024x1024xf32>
      %convert_element_type3A_13 = arith.truncf %get3A_12 : vector<1024x1024xf32> to vector<1024x1024xbf16>
      %dot_general3A = arith.constant dense<0.000000e+00> : vector<256x1024xf32>
      %dot_general3A_14 = tpu.matmul %convert_element_type3A_9, %convert_element_type3A_13, %dot_general3A {dimension_numbers = #tpu.dot_dimension_numbers<[1], [0], [0], [1], [0, 0, 1, 1], [], []>, transpose_lhs_hint = false} : vector<256x1024xbf16>, vector<1024x1024xbf16>, vector<256x1024xf32> -> vector<256x1024xf32>
      %mul3A = arith.constant 5.000000e-01 : f32
      %mul3A_15 = vector.broadcast %mul3A : f32 to vector<256x1024xf32>
      %mul3A_16 = arith.mulf %mul3A_15, %dot_general3A_14 : vector<256x1024xf32>
      %mul3A_17 = arith.constant 0.707106769 : f32
      %mul3A_18 = vector.broadcast %mul3A_17 : f32 to vector<256x1024xf32>
      %mul3A_19 = arith.mulf %dot_general3A_14, %mul3A_18 : vector<256x1024xf32>
      %erf3A = math.erf %mul3A_19 : vector<256x1024xf32>
      %add3A = arith.constant 1.000000e+00 : f32
      %add3A_20 = vector.broadcast %add3A : f32 to vector<256x1024xf32>
      %add3A_21 = arith.addf %add3A_20, %erf3A : vector<256x1024xf32>
      %mul3A_22 = arith.mulf %mul3A_16, %add3A_21 : vector<256x1024xf32>
      %convert_element_type3A_23 = arith.truncf %mul3A_22 : vector<256x1024xf32> to vector<256x1024xbf16>
      %get3A_24 = arith.constant 0 : index
      %get3A_25 = arith.constant 0 : index
      %get3A_26 = vector.load %arg5[%get3A_24, %get3A_25] : memref<1024x1024xf32, #tpu.memory_space<vmem>>, vector<1024x1024xf32>
      %convert_element_type3A_27 = arith.truncf %get3A_26 : vector<1024x1024xf32> to vector<1024x1024xbf16>
      %dot_general3A_28 = arith.constant dense<0.000000e+00> : vector<256x1024xf32>
      %dot_general3A_29 = tpu.matmul %convert_element_type3A_23, %convert_element_type3A_27, %dot_general3A_28 {dimension_numbers = #tpu.dot_dimension_numbers<[1], [0], [0], [1], [0, 0, 1, 1], [], []>, transpose_lhs_hint = false} : vector<256x1024xbf16>, vector<1024x1024xbf16>, vector<256x1024xf32> -> vector<256x1024xf32>
      %eq3A_30 = arith.constant 0 : i32
      %eq3A_31 = arith.cmpi eq, %arg1, %eq3A_30 : i32
      %convert_element_type3A_32 = arith.extui %eq3A_31 : i1 to i32
      %cond3A_33 = arith.constant 0 : i32
      %cond3A_34 = arith.cmpi ne, %convert_element_type3A_32, %cond3A_33 : i32
      scf.if %cond3A_34 {
        %swap3A = arith.constant 0 : index
        %swap3A_40 = arith.constant 0 : index
        %swap3A_41 = vector.load %arg7[%swap3A, %swap3A_40] : memref<256x1024xf32, #tpu.memory_space<vmem>>, vector<256x1024xf32>
        tpu.vector_store %arg7[%swap3A, %swap3A_40], %dot_general3A_29 {strides = array<i32>} : memref<256x1024xf32, #tpu.memory_space<vmem>>, vector<256x1024xf32>,
      } else {
      }
      %eq3A_35 = arith.constant 1 : i32
      %eq3A_36 = arith.cmpi eq, %arg1, %eq3A_35 : i32
      %convert_element_type3A_37 = arith.extui %eq3A_36 : i1 to i32
      %cond3A_38 = arith.constant 0 : i32
      %cond3A_39 = arith.cmpi ne, %convert_element_type3A_37, %cond3A_38 : i32
      scf.if %cond3A_39 {
        %get3A_40 = arith.constant 0 : index
        %get3A_41 = arith.constant 0 : index
        %get3A_42 = vector.load %arg6[%get3A_40, %get3A_41] : memref<256x128xf32, #tpu.memory_space<vmem>>, vector<256x128xf32>
        %slice3A = vector.extract_strided_slice %get3A_42 {offsets = [0, 0], sizes = [256, 1], strides = [1, 1]} : vector<256x128xf32> to vector<256x1xf32>
        %get3A_43 = arith.constant 0 : index
        %get3A_44 = arith.constant 0 : index
        %get3A_45 = vector.load %arg7[%get3A_43, %get3A_44] : memref<256x1024xf32, #tpu.memory_space<vmem>>, vector<256x1024xf32>
        %add3A_46 = arith.addf %get3A_45, %dot_general3A_29 : vector<256x1024xf32>
        %mul3A_47 = vector.broadcast %slice3A : vector<256x1xf32> to vector<256x1024xf32>
        %mul3A_48 = arith.mulf %add3A_46, %mul3A_47 : vector<256x1024xf32>
        %swap3A = arith.constant 0 : index
        %swap3A_49 = arith.constant 0 : index
        %swap3A_50 = vector.load %arg7[%swap3A, %swap3A_49] : memref<256x1024xf32, #tpu.memory_space<vmem>>, vector<256x1024xf32>
        tpu.vector_store %arg7[%swap3A, %swap3A_49], %mul3A_48 {strides = array<i32>} : memref<256x1024xf32, #tpu.memory_space<vmem>>, vector<256x1024xf32>,
      } else {
      }
    } else {
    }
    %eq3A = arith.constant 32 : i32
    %eq3A_2 = arith.cmpi eq, %arg0, %eq3A : i32
    %convert_element_type3A_3 = arith.extui %eq3A_2 : i1 to i32
    %cond3A_4 = arith.constant 0 : i32
    %cond3A_5 = arith.cmpi ne, %convert_element_type3A_3, %cond3A_4 : i32
    scf.if %cond3A_5 {
      %eq3A_6 = arith.constant 0 : i32
      %eq3A_7 = arith.cmpi eq, %arg1, %eq3A_6 : i32
      %convert_element_type3A_8 = arith.extui %eq3A_7 : i1 to i32
      %cond3A_9 = arith.constant 0 : i32
      %cond3A_10 = arith.cmpi ne, %convert_element_type3A_8, %cond3A_9 : i32
      scf.if %cond3A_10 {
        %broadcast_in_dim3A = arith.constant 0.000000e+00 : f32
        %broadcast_in_dim3A_11 = vector.broadcast %broadcast_in_dim3A : f32 to vector<256x1024xf32>
        %swap3A = arith.constant 0 : index
        %swap3A_12 = arith.constant 0 : index
        %swap3A_13 = vector.load %arg7[%swap3A, %swap3A_12] : memref<256x1024xf32, #tpu.memory_space<vmem>>, vector<256x1024xf32>
        tpu.vector_store %arg7[%swap3A, %swap3A_12], %broadcast_in_dim3A_11 {strides = array<i32>} : memref<256x1024xf32, #tpu.memory_space<vmem>>, vector<256x1024xf32>,
      } else {
      }
    } else {
    }
    return
  }
  func.func @transform_0(%arg0: i32, %arg1: i32, %arg2: memref<66xi32, #tpu.memory_space<smem>>) -> (i32, i32) {
    %get3A = arith.constant 33 : index
    %get3A_0 = memref.load %arg2[%get3A] : memref<66xi32, #tpu.memory_space<smem>>
    %sub3A = arith.constant 1 : i32
    %sub3A_1 = arith.subi %get3A_0, %sub3A : i32
    %min3A = arith.minsi %arg0, %sub3A_1 : i32
    %c0_i32 = arith.constant 0 : i32
    %c0_i32_2 = arith.constant 0 : i32
    return %min3A, %c0_i32 : i32, i32
  }
  func.func @transform_1(%arg0: i32, %arg1: i32, %arg2: memref<66xi32, #tpu.memory_space<smem>>) -> (i32, i32) {
    %get3A = arith.index_cast %arg0 : i32 to index
    %get3A_0 = memref.load %arg2[%get3A] : memref<66xi32, #tpu.memory_space<smem>>
    %mul3A = arith.constant 2 : i32
    %mul3A_1 = arith.muli %get3A_0, %mul3A : i32
    %get3A_2 = arith.constant 33 : index
    %get3A_3 = memref.load %arg2[%get3A_2] : memref<66xi32, #tpu.memory_space<smem>>
    %lt3A = arith.cmpi slt, %arg0, %get3A_3 : i32
    %jit3A = arith.constant 1 : i32
    %select_n3A = arith.select %lt3A, %arg1, %jit3A : i32
    %add3A = arith.addi %mul3A_1, %select_n3A : i32
    %c0_i32 = arith.constant 0 : i32
    %c0_i32_4 = arith.constant 0 : i32
    return %c0_i32, %add3A : i32, i32
  }
  func.func @transform_2(%arg0: i32, %arg1: i32, %arg2: memref<66xi32, #tpu.memory_space<smem>>) -> (i32, i32) {
    %get3A = arith.index_cast %arg0 : i32 to index
    %get3A_0 = memref.load %arg2[%get3A] : memref<66xi32, #tpu.memory_space<smem>>
    %mul3A = arith.constant 2 : i32
    %mul3A_1 = arith.muli %get3A_0, %mul3A : i32
    %get3A_2 = arith.constant 33 : index
    %get3A_3 = memref.load %arg2[%get3A_2] : memref<66xi32, #tpu.memory_space<smem>>
    %lt3A = arith.cmpi slt, %arg0, %get3A_3 : i32
    %jit3A = arith.constant 1 : i32
    %select_n3A = arith.select %lt3A, %arg1, %jit3A : i32
    %add3A = arith.addi %mul3A_1, %select_n3A : i32
    %c0_i32 = arith.constant 0 : i32
    %c0_i32_4 = arith.constant 0 : i32
    return %add3A, %c0_i32 : i32, i32
  }
  func.func @transform_3(%arg0: i32, %arg1: i32, %arg2: memref<66xi32, #tpu.memory_space<smem>>) -> (i32, i32) {
    %get3A = arith.constant 33 : index
    %get3A_0 = memref.load %arg2[%get3A] : memref<66xi32, #tpu.memory_space<smem>>
    %sub3A = arith.constant 1 : i32
    %sub3A_1 = arith.subi %get3A_0, %sub3A : i32
    %min3A = arith.minsi %arg0, %sub3A_1 : i32
    %c0_i32 = arith.constant 0 : i32
    %c0_i32_2 = arith.constant 0 : i32
    return %min3A, %c0_i32 : i32, i32
  }
  func.func @transform_4(%arg0: i32, %arg1: i32, %arg2: memref<66xi32, #tpu.memory_space<smem>>) -> (i32, i32) {
    %eq3A = arith.constant 32 : i32
    %eq3A_0 = arith.cmpi eq, %arg0, %eq3A : i32
    %get3A = arith.constant 33 : index
    %get3A_1 = memref.load %arg2[%get3A] : memref<66xi32, #tpu.memory_space<smem>>
    %sub3A = arith.constant 1 : i32
    %sub3A_2 = arith.subi %get3A_1, %sub3A : i32
    %min3A = arith.minsi %arg0, %sub3A_2 : i32
    %jit3A = arith.constant 32 : i32
    %select_n3A = arith.select %eq3A_0, %jit3A, %min3A : i32
    %c0_i32 = arith.constant 0 : i32
    %c0_i32_3 = arith.constant 0 : i32
    return %select_n3A, %c0_i32 : i32, i32
  }
}

</mosaic_0001>

<sc_bundles>
// kernel: kernel.5.cloned.1.call-start
scs
__scs_entry_jumppad:
0x0: {  	(pc) =	sbr.rel $0x88, $3  }
0x1: {  	(tag) =	ssettag $0x0;
	lr =	simm.s32 $0x1  }
0x2: {  	[smem:$0x3F9D] =	sst lr;
	_ =	strace $0xD0000000  }
0x3: {  	_ = 	snop  }
0x4: {  	_ = 	snop  }
0x5: {  	_ = 	snop  }
0x6: {  	_ = 	snop  }
0x7: {  	_ = 	snop  }
__scs_overlays_trampoline_lowered:
0x8: {  	[smem:$0x3FAC] =	sst s0  }
0x9: {  	[smem:$0x3FAD] =	sst s1  }
0xa: {  	[smem:$0x3FAE] =	sst s2  }
0xb: {  	[smem:$0x3FAF] =	sst s3  }
0xc: {  	[smem:$0x3FB0] =	sst s4  }
0xd: {  	[smem:$0x3FB1] =	sst s5  }
0xe: {  	[smem:$0x3FB2] =	sst s6  }
0xf: {  	[smem:$0x3FB3] =	sst s7  }
0x10: {  	[smem:$0x3FB4] =	sst s8  }
0x11: {  	[smem:$0x3FB5] =	sst s9;
	s0 =	simm.s32 @!p0 $0x0  }
0x12: {  	s1 =	sld [smem:$0x3F9B];
	s0 =	simm.s32 @p0 $0x1  }
0x13: {  	[smem:$0x3FB6] =	sst s0;
	s0 =	simm.s32 @!p1 $0x0  }
0x14: {  	s2 =	sld [smem:$0x3F9A];
	s0 =	simm.s32 @p1 $0x1  }
0x15: {  	[smem:$0x3FB7] =	sst s0;
	s0 =	simm.s32 @!p2 $0x0  }
0x16: {  	s3 =	sld [smem:$0x3FDB];
	s0 =	simm.s32 @p2 $0x1  }
0x17: {  	s4 =	simm.s32 $0x1BF5;
	[smem:$0x3FB9] =	sst s0  }
0x18: {  	s0 =	sld [smem:$0x3F9C];
	_ =	swait.ge [sflag:s4], $0x0  }
0x19: {  	s7 =	sld [smem:$0x3F9D]  }
0x1a: {  	s8 =	sadd.s32 $0xFFFFE003, lr  }
0x1b: {  	s9 =	sadd.s32 $0xFFFFFEF7, lr;
	s5 =	simm.s32 $0xFFFFFFFF;
	p2 =	slt.u32 s8, $0xFFFFF086  }
0x1c: {  	p1 =	slt.u32 s9, $0xF7A;
	s5 =	simm.s32 @!p2 $0x0  }
0x1d: {  	s5 =	simm.s32 @p1 $0x1;
	p0 =	seq.s32 s7, s2  }
0x1e: {  	s7 =	smul.u32 @!p0 $0xF7A, s2;
	p2 =	seq.s32 @!p0 s5, $0x0  }
0x1f: {  	s9 =	smul.u32 $0xF7A, s1;
	s8 =	simm.s32 @!p0 $0x1BF5;
	p2 =	por !p2, p0  }
0x20: {  	[sflag:s8] =	ssyncset.s32 @!p0 $0xFFFFF086;
	s6 =	sadd.s32 @!p0 s3, s7;
	s7 =	simm.s32 @!p0 $0x108  }
0x21: {  	s3 =	sadd.s32 s3, s9;
	s6 =	sadd.s32 @!p0 $0x88, s6;
	s7 =	simm.s32 @p2 $0x1082  }
0x22: {  	[simem:s7], [sflag:s8] =	dma.local @!p0 [hbm:s6], $0xF7A  }
0x23: {  	s9 =	sor.u32 $0xD0000000, s2;
	s6 =	simm.s32 $0x108;
	_ =	swait.ge @!p0 [sflag:s8], $0x0  }
0x24: {  	s3 =	sadd.s32 $0x88, s3;
	s6 =	simm.s32 @!p1 $0x1082;
	[sflag:s4] =	ssyncset.s32 $0xFFFFF086  }
0x25: {  	[simem:s6], [sflag:s4] =	dma.local [hbm:s3], $0xF7A  }
0x26: {  	[smem:$0x3F9D] =	sst s1;
	(tag) =	ssettag s2;
	_ =	strace s9  }
0x27: {  	s1 =	sld [smem:$0x3FAD]  }
0x28: {  	s2 =	sld [smem:$0x3FAE]  }
0x29: {  	s4 =	sld [smem:$0x3FB0]  }
0x2a: {  	p0 =	seq.s32 s5, $0x0;
	s5 =	sld [smem:$0x3FB1]  }
0x2b: {  	s6 =	sld [smem:$0x3FB2]  }
0x2c: {  	s7 =	sld [smem:$0x3FB3]  }
0x2d: {  	s3 =	simm.s32 $0x108;
	s8 =	sld [smem:$0x3FB4]  }
0x2e: {  	s3 =	simm.s32 @!p0 $0x1082;
	s9 =	sld [smem:$0x3FB5]  }
0x2f: {  	lr =	sadd.s32 s0, s3;
	s0 =	sld [smem:$0x3FAC]  }
0x30: {  	s3 =	sld [smem:$0x3FAF]  }
0x31: {  	[smem:$0x3FB8] =	sst s10  }
0x32: {  	s10 =	sld [smem:$0x3FB6];
	_ =	sdelay $0x3  }
0x33: {  	p0 =	seq.s32 s10, $0x1;
	s10 =	sld [smem:$0x3FB8];
	_ =	sdelay $0x3  }
0x34: {  	[smem:$0x3FB8] =	sst s10  }
0x35: {  	s10 =	sld [smem:$0x3FB7];
	_ =	sdelay $0x3  }
0x36: {  	p1 =	seq.s32 s10, $0x1;
	s10 =	sld [smem:$0x3FB8];
	_ =	sdelay $0x3  }
0x37: {  	[smem:$0x3FB8] =	sst s10  }
0x38: {  	s10 =	sld [smem:$0x3FB9]  }
0x39: {  	_ = 	snop;
	(pc) =	sbr.ind lr, $3  }
0x3a: {  	_ = 	snop  }
0x3b: {  	_ = 	snop  }
0x3c: {  	p2 =	seq.s32 s10, $0x1;
	s10 =	sld [smem:$0x3FB8]  }
0x3d: {  	_ =	shalt  }
0x3e: {  	_ =	shalt  }
0x3f: {  	_ =	shalt  }
0x40: {  	_ =	shalt  }
0x41: {  	_ =	shalt  }
0x42: {  	_ =	shalt  }
0x43: {  	_ =	shalt  }
0x44: {  	_ =	shalt  }
0x45: {  	_ =	shalt  }
0x46: {  	_ =	shalt  }
0x47: {  	_ =	shalt  }
0x48: {  	_ =	shalt  }
0x49: {  	_ =	shalt  }
0x4a: {  	_ =	shalt  }
0x4b: {  	_ =	shalt  }
0x4c: {  	_ =	shalt  }
0x4d: {  	_ =	shalt  }
0x4e: {  	_ =	shalt  }
0x4f: {  	_ =	shalt  }
0x50: {  	_ =	shalt  }
0x51: {  	_ =	shalt  }
0x52: {  	_ =	shalt  }
0x53: {  	_ =	shalt  }
0x54: {  	_ =	shalt  }
0x55: {  	_ =	shalt  }
0x56: {  	_ =	shalt  }
0x57: {  	_ =	shalt  }
0x58: {  	_ =	shalt  }
0x59: {  	_ =	shalt  }
0x5a: {  	_ =	shalt  }
0x5b: {  	_ =	shalt  }
0x5c: {  	_ =	shalt  }
0x5d: {  	_ =	shalt  }
0x5e: {  	_ =	shalt  }
0x5f: {  	_ =	shalt  }
0x60: {  	_ =	shalt  }
0x61: {  	_ =	shalt  }
0x62: {  	_ =	shalt  }
0x63: {  	_ =	shalt  }
0x64: {  	_ =	shalt  }
0x65: {  	_ =	shalt  }
0x66: {  	_ =	shalt  }
0x67: {  	_ =	shalt  }
0x68: {  	_ =	shalt  }
0x69: {  	_ =	shalt  }
0x6a: {  	_ =	shalt  }
0x6b: {  	_ =	shalt  }
0x6c: {  	_ =	shalt  }
0x6d: {  	_ =	shalt  }
0x6e: {  	_ =	shalt  }
0x6f: {  	_ =	shalt  }
0x70: {  	_ =	shalt  }
0x71: {  	_ =	shalt  }
0x72: {  	_ =	shalt  }
0x73: {  	_ =	shalt  }
0x74: {  	_ =	shalt  }
0x75: {  	_ =	shalt  }
0x76: {  	_ =	shalt  }
0x77: {  	_ =	shalt  }
0x78: {  	_ =	shalt  }
0x79: {  	_ =	shalt  }
0x7a: {  	_ =	shalt  }
0x7b: {  	_ =	shalt  }
0x7c: {  	_ =	shalt  }
0x7d: {  	_ =	shalt  }
0x7e: {  	_ =	shalt  }
0x7f: {  	_ =	shalt  }
0x80: {  	_ =	shalt  }
0x81: {  	_ =	shalt  }
0x82: {  	_ =	shalt  }
0x83: {  	_ =	shalt  }
0x84: {  	_ =	shalt  }
0x85: {  	_ =	shalt  }
0x86: {  	_ =	shalt  }
0x87: {  	_ =	shalt  }
.Lfunc_end0:
.L_simem_size_0:
called_computation_lowered:
.L_overlay_start_0:
0x88: {  	s2 =	sld [smem:$0x3FD9]  }
0x89: {  	s3 =	sld [smem:$0x3FFE];
	_ =	sdelay $0x1  }
0x8a: {  	s1 =	srdreg.scid  }
0x8b: {  	s0 =	sand.u32 $0x1, s1  }
0x8c: {  	s17 =	sshll.u32 s0, $0xA;
	s2 =	sadd.s32 s3, s2  }
0x8d: {  	s2 =	sadd.s32 s2, s17  }
0x8e: {  	[smem:$0x3FC4] =	sst s2  }
0x8f: {  	_ = 	snop  }
0x90: {  	s2 =	sld [smem:$0x3FC9]  }
0x91: {  	s18 =	sld [smem:$0x3FD0];
	(tm) =	ssettm $0x1  }
0x92: {  	s4 =	sld [smem:$0x3FFB];
	_ =	sdelay $0x3  }
0x93: {  	_ =	strace s4  }
0x94: {  	s4 =	sld [smem:$0x3FFC];
	_ =	sdelay $0x3  }
0x95: {  	_ =	strace s4  }
0x96: {  	s4 =	sld [smem:$0x3FFD];
	_ =	sdelay $0x3  }
0x97: {  	_ =	strace s4  }
0x98: {  	_ =	strace $0x8FFFFFFF  }
0x99: {  	s19 =	sld [smem:$0x3FDB];
	_ =	sdelay $0x1  }
0x9a: {  	s5 =	simm.s32 $_scs_section_size  }
0x9b: {  	s6 =	simm.s32 $_size__tile_overlayer_lowered;
	s7 =	simm.s32 $_tile_overlayer_lowered  }
0x9c: {  	s22 =	simm.s32 $0x1BFF;
	s21 =	sshll.u32 s7, $0x1;
	s4 =	sadd.s32 s5, s19  }
0x9d: {  	s8 =	simm.s32 $0x0;
	s20 =	sshll.u32 s6, $0x1;
	s6 =	sadd.s32 s21, s4  }
0x9e: {  	[timem:s8], [sflag:s22] =	dma.local [hbm:s6], s20  }
0x9f: {  	_ =	swait.ge [sflag:s22], s20  }
0xa0: {  	s5 =	ssub.s32 $0x0, s20;
	[sflag:s22] =	ssyncset.done $0x0  }
0xa1: {  	[sflag:s22] =	ssyncadd.s32 s5;
	_ =	sdelay $0x1  }
0xa2: {  	s23 =	simm.s32 $0x1B8B  }
0xa3: {  	_ =	swait.ge [sflag:s23], $0x1  }
0xa4: {  	[sflag:s23] =	ssyncset.done $0x0  }
0xa5: {  	s25 =	simm.s32 $0x1B8E;
	s24 =	sld [smem:$0x3FFE];
	[sflag:s23] =	ssyncadd.s32 $0xFFFFFFFF  }
0xa6: {  	s26 =	simm.s32 $execute0_lowered;
	[smem:$0x3FD2] =	sst s25  }
0xa7: {  	s6 =	sshll.u32 s26, $0x1;
	_ =	strace $0x80000046;
	[dreg:$0x1] =	wrdreg $0xFFFFFFFF  }
0xa8: {  	s28 =	simm.s32 $_size_execute0_lowered;
	s4 =	sadd.s32 s4, s6;
	[dreg:$0x0] =	wrdreg $0x0  }
0xa9: {  	s6 =	sshll.u32 s28, $0x1;
	[dreg:$0x2] =	wrdreg s4  }
0xaa: {  	[dreg:$0x3] =	wrdreg s6  }
0xab: {  	[dreg:$0x4] =	wrdreg $0xC0  }
0xac: {  	_ =	task [dreg:s8], $0x5FFFF  }
0xad: {  	[dreg:$0x1] =	wrdreg $0xFFFFFFFF  }
0xae: {  	[dreg:$0x0] =	wrdreg $0x60  }
0xaf: {  	[dreg:$0x2] =	wrdreg s2  }
0xb0: {  	[dreg:$0x3] =	wrdreg s24  }
0xb1: {  	[dreg:$0x4] =	wrdreg s18  }
0xb2: {  	[dreg:$0x5] =	wrdreg $0x9  }
0xb3: {  	_ =	task.clear_ibuf [dreg:s8], $0x6FFFF;
	_ =	strace $0x90000046  }
0xb4: {  	s29 =	simm.s32 $0x9;
	_ =	strace $0x80000048  }
0xb5: {  	_ =	swait.ge [sflag:s29], $0x1  }
0xb6: {  	[sflag:s29] =	ssyncadd.s32 $0xFFFFFFFF  }
0xb7: {  	_ =	strace $0x90000048  }
0xb8: {  	_ =	sfence  }
0xb9: {  	s30 =	sld [smem:$0x0];
	_ =	sdelay $0x2  }
0xba: {  	s31 =	sshll.u32 s1, $0xD;
	s1 =	sshrl.u32 s1, $0x2  }
0xbb: {  	s3 =	sand.u32 $0x4000, s31;
	s1 =	sadd.s32 s1, s30  }
0xbc: {  	s0 =	sor.u32 s3, s0;
	s1 =	sshll.u32 s1, $0x11  }
0xbd: {  	s0 =	sor.u32 s1, s0  }
0xbe: {  	s0 =	sadd.s32 $0x8F2B, s0  }
0xbf: {  	[sflag:s0] =	ssyncadd.remote.s32 $0x1  }
0xc0: {  	_ =	sfence.sel $0xFFFF  }
0xc1: {  	[dreg:$0x0] =	wrdreg $0xFFFFFFFF;
	(pc) =	sbr.abs _section_cstart, $3  }
0xc2: {  	[dreg:$0x1] =	wrdreg $0xFFFFFFFF  }
0xc3: {  	_ =	task.clear_ibuf [dreg:s8], $0x2FFFF;
	_ =	strace $0x9FFFFFFF  }
0xc4: {  	(tm) =	ssettm $0x7FFFFFFF  }
0xc5: {  	_ =	shalt  }
tec
execute0_lowered:
.L_overlay_start_1:
0x0: {  	(tag) =	ssettag $0x1  }
0x1: {  	s2 =	rddreg [dreg:$0x2];
	s24 =	srdreg.scid  }
0x2: {  	s4 =	stileid.u32;
	[dreg:$0x4] =	wrdreg s2;
	s2 =	sand.u32 $0x1, s24  }
0x3: {  	s4 =	sshll.u32 s4, $0x8;
	s5 =	sshll.u32 s2, $0x7  }
0x4: {  	v9 =	vlaneseq.u32;
	s5 =	sor.u32 s5, s4  }
0x5: {  	vm0 =	vmmov $0xffff;
	s4 =	sshll.u32 s5, $0x4;
	s25 =	sshrl.u32 s5, $0x3;
	s9 =	sor.u32 $0x10, s5;
	v0 =	vor.u32 s5, v9  }
0x6: {  	s12 =	sor.u32 $0x20, s5;
	s14 =	sor.u32 $0x40, s5;
	s15 =	sor.u32 $0x60, s5;
	v2 =	vmov s5;
	v1 =	vor.u32 s9, v9;
	v0 =	vshrl.u32 v0, $0x1  }
0x7: {  	s13 =	sor.u32 $0x30, s5;
	s29 =	sor.u32 $0x50, s5;
	s5 =	sor.u32 $0x70, s5;
	v2 =	vshll.u32 v2, $0x2;
	v4 =	vor.u32 s12, v9;
	v10 =	vmov s15  }
0x8: {  	v13 =	vor.u32 s5, v9;
	v1 =	vshrl.u32 v1, $0x1;
	v3 =	vand.u32 $0x7, v0  }
0x9: {  	v16 =	vshll.u32 v10, $0x2;
	v11 =	vor.u32 v3, v2;
	v2 =	vshrl.u32 v4, $0x1  }
0xa: {  	v3 =	vmov s12;
	v4 =	vor.u32 s13, v9;
	v5 =	vand.u32 $0x7, v2  }
0xb: {  	s31 =	rddreg [dreg:$0x0];
	v6 =	vshll.u32 v3, $0x2;
	v3 =	vshrl.u32 v4, $0x1;
	v4 =	vor.u32 s14, v9  }
0xc: {  	s0 =	rddreg [dreg:$0x1];
	s3 =	simm.s32 $0x0;
	v10 =	vshrl.u32 v13, $0x1;
	v12 =	vor.u32 v5, v6;
	v4 =	vshrl.u32 v4, $0x1  }
0xd: {  	s30 =	simm.s32 $0xBA80;
	[smem:$0x7FF] =	sst s3;
	s2 =	ssub.s32 $0x2, s2;
	v5 =	vmov s14;
	v6 =	vor.u32 s29, v9;
	v7 =	vand.u32 $0x7, v4  }
0xe: {  	s11 =	sadd.s32 $0xA00, s0;
	_ =	strace $0x80000047;
	s7 =	sshrl.u32 s2, $0x1;
	v8 =	vshll.u32 v5, $0x2;
	v5 =	vor.u32 s15, v9;
	v6 =	vshrl.u32 v6, $0x1  }
0xf: {  	s2 =	ssub.s32 s2, s7;
	s6 =	sadd.s32 s4, s0;
	s4 =	sadd.s32 $0x10C00, s0;
	v5 =	vshrl.u32 v5, $0x1;
	v14 =	vor.u32 v7, v8;
	v7 =	vand.u32 $0x7, v9  }
0x10: {  	s7 =	sadd.s32 s11, s25;
	s8 =	sshrl.u32 s12, $0x3;
	s26 =	sshrl.u32 s14, $0x3;
	v8 =	vshrl.u32 v9, $0x3;
	v9 =	vor.u32 $0x8, v9;
	v15 =	vand.u32 $0x7, v5  }
0x11: {  	s9 =	sadd.s32 $0x10D00, s0;
	s17 =	sshrl.u32 s15, $0x3;
	[dreg:$0x9] =	wrdreg s7;
	v17 =	vperm.xlane v11, v7;
	v8 =	vmul.u32 $0x8, v8;
	v18 =	vperm.xlane v14, v7  }
0x12: {  	s6 =	sadd.s32 $0xC00, s6;
	s7 =	sadd.s32 $0x200, s31;
	s10 =	sadd.s32 s11, s8;
	v19 =	vperm.xlane v14, v9;
	v13 =	vor.u32 v15, v16;
	v15 =	vperm.xlane v11, v9  }
0x13: {  	s8 =	sadd.s32 $0x300, s31;
	s16 =	sadd.s32 s11, s26;
	[dreg:$0x5] =	wrdreg s6;
	v16 =	vperm.xlane v12, v7;
	v11 =	vadd.s32 v8, v17;
	v17 =	vperm.xlane v12, v9  }
0x14: {  	s28 =	sadd.s32 s11, s17;
	s11 =	sadd.s32 $0x10F00, s0;
	[dreg:$0x6] =	wrdreg s10;
	v20 =	vperm.xlane v13, v7;
	v21 =	vperm.xlane v13, v9;
	v12 =	vadd.s32 v8, v15  }
0x15: {  	s6 =	sadd.s32 $0x100, s31;
	s10 =	sadd.s32 $0x10E00, s0;
	[dreg:$0x7] =	wrdreg s16;
	v13 =	vadd.s32 v8, v16;
	v15 =	vadd.s32 v8, v18;
	v16 =	vadd.s32 v8, v19  }
0x16: {  	[dreg:$0x8] =	wrdreg s28;
	s12 =	smax.u32 s2, $0x1;
	s13 =	simm.s32 $0x5;
	v14 =	vadd.s32 v8, v17;
	v17 =	vadd.s32 v8, v20;
	v18 =	vadd.s32 v8, v21  }
.LBB2_1:
0x17: {  	s15 =	rddreg [dreg:$0x9]  }
0x18: {  	[tilespmem:s3], [sflag:$0x5] =	stream.linear.gather [hbm4b:s15+s3], $0x80, $0x38;
	[tilespmem:$0x14280] =	vst v63  }
0x19: {  	_ =	swait.ge [sflag:s13], $0x80  }
0x1a: {  	[sflag:s13] =	ssyncset.done $0x0  }
0x1b: {  	s2 =	simm.s32 $0x80;
	s14 =	rddreg [dreg:$0x5];
	[sflag:s13] =	ssyncadd.s32 $0xFFFFFF80  }
0x1c: {  	[tilespmem:s2], [sflag:$0x5] =	stream.linear.gather [hbm4b:s14+s3], $0x4000, $0x38;
	[tilespmem:$0x14280] =	vst v63  }
0x1d: {  	_ =	swait.ge [sflag:s13], $0x4000  }
0x1e: {  	[sflag:s13] =	ssyncset.done $0x0  }
0x1f: {  	s0 =	rddreg [dreg:$0x4];
	[sflag:s13] =	ssyncadd.s32 $0xFFFFC000  }
0x20: {  	[hbm4b:s0+s2] =	stream.indirect.scatter [tilespmem:s2], [sflag:$0x5], $0x80, s3, s2, $0xb8;
	[tilespmem:$0x14280] =	vst v63  }
0x21: {  	_ =	swait.ge [sflag:s13], $0x4000  }
0x22: {  	[sflag:s13] =	ssyncset.done $0x0  }
0x23: {  	s0 =	simm.s32 $0x4080;
	[sflag:s13] =	ssyncadd.s32 $0xFFFFC000  }
0x24: {  	[tilespmem:s0], [sflag:$0x5] =	stream.linear.gather [hbm4b:s15+s3], $0x20, $0x38;
	[tilespmem:$0x14280] =	vst v63  }
0x25: {  	_ =	swait.ge [sflag:s13], $0x20  }
0x26: {  	[sflag:s13] =	ssyncset.done $0x0  }
0x27: {  	[sflag:s13] =	ssyncadd.s32 $0xFFFFFFE0  }
0x28: {  	[tilespmem:$0x4180] =	vst v0  }
0x29: {  	s15 =	simm.s32 $0x4280;
	[tilespmem:$0x4190] =	vst v1  }
0x2a: {  	[tilespmem:s15], [sflag:$0x1] =	stream.indirect_vreg.gather [hbm4b:s31+s3], $0x80, v11, vm0, $0xb8;
	[tilespmem:$0x14280] =	vst v63  }
0x2b: {  	s5 =	simm.s32 $0x4A80  }
0x2c: {  	[tilespmem:s5], [sflag:$0x1] =	stream.indirect_vreg.gather [hbm4b:s6+s3], $0x80, v11, vm0, $0xb8;
	[tilespmem:$0x14280] =	vst v63  }
0x2d: {  	s1 =	simm.s32 $0x5280  }
0x2e: {  	[tilespmem:s1], [sflag:$0x1] =	stream.indirect_vreg.gather [hbm4b:s7+s3], $0x80, v11, vm0, $0xb8;
	[tilespmem:$0x14280] =	vst v63  }
0x2f: {  	s17 =	simm.s32 $0x5A80  }
0x30: {  	[tilespmem:s17], [sflag:$0x1] =	stream.indirect_vreg.gather [hbm4b:s8+s3], $0x80, v11, vm0, $0xb8;
	[tilespmem:$0x14280] =	vst v63  }
0x31: {  	s18 =	simm.s32 $0x6280  }
0x32: {  	[tilespmem:s18], [sflag:$0x1] =	stream.indirect_vreg.gather [hbm4b:s31+s3], $0x80, v12, vm0, $0xb8;
	[tilespmem:$0x14280] =	vst v63  }
0x33: {  	s19 =	simm.s32 $0x6A80  }
0x34: {  	[tilespmem:s19], [sflag:$0x1] =	stream.indirect_vreg.gather [hbm4b:s6+s3], $0x80, v12, vm0, $0xb8;
	[tilespmem:$0x14280] =	vst v63  }
0x35: {  	s20 =	simm.s32 $0x7280  }
0x36: {  	[tilespmem:s20], [sflag:$0x1] =	stream.indirect_vreg.gather [hbm4b:s7+s3], $0x80, v12, vm0, $0xb8;
	[tilespmem:$0x14280] =	vst v63  }
0x37: {  	s21 =	simm.s32 $0x7A80  }
0x38: {  	[tilespmem:s21], [sflag:$0x1] =	stream.indirect_vreg.gather [hbm4b:s8+s3], $0x80, v12, vm0, $0xb8;
	[tilespmem:$0x14280] =	vst v63  }
0x39: {  	v19 =	vld [tilespmem:$0x4190];
	_ =	sdelay $0x4  }
0x3a: {  	v20 =	vshll.u32 v19, $0x3  }
0x3b: {  	v19 =	vand.u32 $0x7, v19;
	v20 =	vand.u32 $0xFFFFFFC0, v20  }
0x3c: {  	v19 =	vor.u32 v19, v20  }
0x3d: {  	v20 =	vperm.xlane v19, v7;
	_ =	sdelay $0x1  }
0x3e: {  	v20 =	vadd.s32 v8, v20;
	_ =	sdelay $0x3  }
0x3f: {  	s22 =	simm.s32 $0x8280  }
0x40: {  	[tilespmem:s22], [sflag:$0x1] =	stream.indirect_vreg.gather [hbm4b:s31+s3], $0x80, v20, vm0, $0xb8;
	[tilespmem:$0x14280] =	vst v63  }
0x41: {  	s23 =	simm.s32 $0x8A80;
	v19 =	vperm.xlane v19, v9  }
0x42: {  	[tilespmem:s23], [sflag:$0x1] =	stream.indirect_vreg.gather [hbm4b:s6+s3], $0x80, v20, vm0, $0xb8;
	[tilespmem:$0x14280] =	vst v63  }
0x43: {  	s24 =	simm.s32 $0x9280;
	v19 =	vadd.s32 v8, v19  }
0x44: {  	[tilespmem:s24], [sflag:$0x1] =	stream.indirect_vreg.gather [hbm4b:s7+s3], $0x80, v20, vm0, $0xb8;
	[tilespmem:$0x14280] =	vst v63  }
0x45: {  	s25 =	simm.s32 $0x9A80  }
0x46: {  	[tilespmem:s25], [sflag:$0x1] =	stream.indirect_vreg.gather [hbm4b:s8+s3], $0x80, v20, vm0, $0xb8;
	[tilespmem:$0x14280] =	vst v63  }
0x47: {  	s26 =	simm.s32 $0xA280  }
0x48: {  	[tilespmem:s26], [sflag:$0x1] =	stream.indirect_vreg.gather [hbm4b:s31+s3], $0x80, v19, vm0, $0xb8;
	[tilespmem:$0x14280] =	vst v63  }
0x49: {  	s28 =	simm.s32 $0xAA80  }
0x4a: {  	[tilespmem:s28], [sflag:$0x1] =	stream.indirect_vreg.gather [hbm4b:s6+s3], $0x80, v19, vm0, $0xb8;
	[tilespmem:$0x14280] =	vst v63  }
0x4b: {  	s29 =	simm.s32 $0xB280  }
0x4c: {  	[tilespmem:s29], [sflag:$0x1] =	stream.indirect_vreg.gather [hbm4b:s7+s3], $0x80, v19, vm0, $0xb8;
	[tilespmem:$0x14280] =	vst v63  }
0x4d: {  	_ = 	snop  }
0x4e: {  	[tilespmem:s30], [sflag:$0x1] =	stream.indirect_vreg.gather [hbm4b:s8+s3], $0x80, v19, vm0, $0xb8;
	[tilespmem:$0x14280] =	vst v63  }
0x4f: {  	s16 =	simm.s32 $0x4100;
	s2 =	rddreg [dreg:$0x6]  }
0x50: {  	[tilespmem:s16], [sflag:$0x5] =	stream.linear.gather [hbm4b:s2+s3], $0x20, $0x38;
	[tilespmem:$0x14280] =	vst v63  }
0x51: {  	_ =	swait.ge [sflag:s13], $0x20  }
0x52: {  	[sflag:s13] =	ssyncset.done $0x0  }
0x53: {  	[sflag:s13] =	ssyncadd.s32 $0xFFFFFFE0  }
0x54: {  	[tilespmem:$0x4200] =	vst v2  }
0x55: {  	s2 =	simm.s32 $0xC280;
	[tilespmem:$0x4210] =	vst v3  }
0x56: {  	[tilespmem:s2], [sflag:$0x2] =	stream.indirect_vreg.gather [hbm4b:s31+s3], $0x80, v13, vm0, $0xb8;
	[tilespmem:$0x14280] =	vst v63  }
0x57: {  	s14 =	simm.s32 $0xCA80  }
0x58: {  	[tilespmem:s14], [sflag:$0x2] =	stream.indirect_vreg.gather [hbm4b:s6+s3], $0x80, v13, vm0, $0xb8;
	[tilespmem:$0x14280] =	vst v63  }
0x59: {  	s16 =	simm.s32 $0xD280  }
0x5a: {  	[tilespmem:s16], [sflag:$0x2] =	stream.indirect_vreg.gather [hbm4b:s7+s3], $0x80, v13, vm0, $0xb8;
	[tilespmem:$0x14280] =	vst v63  }
0x5b: {  	s0 =	simm.s32 $0xDA80  }
0x5c: {  	[tilespmem:s0], [sflag:$0x2] =	stream.indirect_vreg.gather [hbm4b:s8+s3], $0x80, v13, vm0, $0xb8;
	[tilespmem:$0x14280] =	vst v63  }
0x5d: {  	s0 =	simm.s32 $0xE280  }
0x5e: {  	[tilespmem:s0], [sflag:$0x2] =	stream.indirect_vreg.gather [hbm4b:s31+s3], $0x80, v14, vm0, $0xb8;
	[tilespmem:$0x14280] =	vst v63  }
0x5f: {  	s0 =	simm.s32 $0xEA80  }
0x60: {  	[tilespmem:s0], [sflag:$0x2] =	stream.indirect_vreg.gather [hbm4b:s6+s3], $0x80, v14, vm0, $0xb8;
	[tilespmem:$0x14280] =	vst v63  }
0x61: {  	s0 =	simm.s32 $0xF280  }
0x62: {  	[tilespmem:s0], [sflag:$0x2] =	stream.indirect_vreg.gather [hbm4b:s7+s3], $0x80, v14, vm0, $0xb8;
	[tilespmem:$0x14280] =	vst v63  }
0x63: {  	s0 =	simm.s32 $0xFA80  }
0x64: {  	[tilespmem:s0], [sflag:$0x2] =	stream.indirect_vreg.gather [hbm4b:s8+s3], $0x80, v14, vm0, $0xb8;
	[tilespmem:$0x14280] =	vst v63  }
0x65: {  	v19 =	vld [tilespmem:$0x4210];
	_ =	sdelay $0x4  }
0x66: {  	v20 =	vshll.u32 v19, $0x3  }
0x67: {  	v19 =	vand.u32 $0x7, v19;
	v20 =	vand.u32 $0xFFFFFFC0, v20  }
0x68: {  	v19 =	vor.u32 v19, v20  }
0x69: {  	v20 =	vperm.xlane v19, v7;
	_ =	sdelay $0x1  }
0x6a: {  	v20 =	vadd.s32 v8, v20;
	_ =	sdelay $0x3  }
0x6b: {  	s0 =	simm.s32 $0x10280  }
0x6c: {  	[tilespmem:s0], [sflag:$0x2] =	stream.indirect_vreg.gather [hbm4b:s31+s3], $0x80, v20, vm0, $0xb8;
	[tilespmem:$0x14280] =	vst v63  }
0x6d: {  	v19 =	vperm.xlane v19, v9;
	s0 =	simm.s32 $0x10A80  }
0x6e: {  	[tilespmem:s0], [sflag:$0x2] =	stream.indirect_vreg.gather [hbm4b:s6+s3], $0x80, v20, vm0, $0xb8;
	[tilespmem:$0x14280] =	vst v63  }
0x6f: {  	v19 =	vadd.s32 v8, v19;
	s0 =	simm.s32 $0x11280  }
0x70: {  	[tilespmem:s0], [sflag:$0x2] =	stream.indirect_vreg.gather [hbm4b:s7+s3], $0x80, v20, vm0, $0xb8;
	[tilespmem:$0x14280] =	vst v63  }
0x71: {  	s0 =	simm.s32 $0x11A80  }
0x72: {  	[tilespmem:s0], [sflag:$0x2] =	stream.indirect_vreg.gather [hbm4b:s8+s3], $0x80, v20, vm0, $0xb8;
	[tilespmem:$0x14280] =	vst v63  }
0x73: {  	s0 =	simm.s32 $0x12280  }
0x74: {  	[tilespmem:s0], [sflag:$0x2] =	stream.indirect_vreg.gather [hbm4b:s31+s3], $0x80, v19, vm0, $0xb8;
	[tilespmem:$0x14280] =	vst v63  }
0x75: {  	s0 =	simm.s32 $0x12A80  }
0x76: {  	[tilespmem:s0], [sflag:$0x2] =	stream.indirect_vreg.gather [hbm4b:s6+s3], $0x80, v19, vm0, $0xb8;
	[tilespmem:$0x14280] =	vst v63  }
0x77: {  	s0 =	simm.s32 $0x13280  }
0x78: {  	[tilespmem:s0], [sflag:$0x2] =	stream.indirect_vreg.gather [hbm4b:s7+s3], $0x80, v19, vm0, $0xb8;
	[tilespmem:$0x14280] =	vst v63  }
0x79: {  	s0 =	simm.s32 $0x13A80  }
0x7a: {  	[tilespmem:s0], [sflag:$0x2] =	stream.indirect_vreg.gather [hbm4b:s8+s3], $0x80, v19, vm0, $0xb8;
	[tilespmem:$0x14280] =	vst v63  }
0x7b: {  	s0 =	simm.s32 $0x1  }
0x7c: {  	_ =	swait.ge [sflag:s0], $0x8000  }
0x7d: {  	[sflag:s0] =	ssyncset.done $0x0  }
0x7e: {  	[sflag:s0] =	ssyncadd.s32 $0xFFFF8000  }
0x7f: {  	v19 =	vld [tilespmem:$0x4080];
	_ =	sdelay $0x4  }
0x80: {  	v20 =	vshll.u32 v19, $0x3  }
0x81: {  	v19 =	vand.u32 $0x7, v19;
	v20 =	vand.u32 $0xFFFFFFC0, v20  }
0x82: {  	v19 =	vor.u32 v19, v20  }
0x83: {  	v20 =	vperm.xlane v19, v7;
	_ =	sdelay $0x1  }
0x84: {  	v20 =	vadd.s32 v8, v20;
	_ =	sdelay $0x4  }
0x85: {  	[hbm4b:s4+s3] =	stream.indirect_vreg.scatter [tilespmem:s15], [sflag:$0x3], $0x80, v20, vm0, $0xb8;
	[tilespmem:$0x14280] =	vst v63  }
0x86: {  	v19 =	vperm.xlane v19, v9  }
0x87: {  	[hbm4b:s9+s3] =	stream.indirect_vreg.scatter [tilespmem:s5], [sflag:$0x3], $0x80, v20, vm0, $0xb8;
	[tilespmem:$0x14280] =	vst v63  }
0x88: {  	s1 =	simm.s32 $0x5280;
	v19 =	vadd.s32 v8, v19  }
0x89: {  	[hbm4b:s10+s3] =	stream.indirect_vreg.scatter [tilespmem:s1], [sflag:$0x3], $0x80, v20, vm0, $0xb8;
	[tilespmem:$0x14280] =	vst v63  }
0x8a: {  	_ = 	snop  }
0x8b: {  	[hbm4b:s11+s3] =	stream.indirect_vreg.scatter [tilespmem:s17], [sflag:$0x3], $0x80, v20, vm0, $0xb8;
	[tilespmem:$0x14280] =	vst v63  }
0x8c: {  	_ = 	snop  }
0x8d: {  	[hbm4b:s4+s3] =	stream.indirect_vreg.scatter [tilespmem:s18], [sflag:$0x3], $0x80, v19, vm0, $0xb8;
	[tilespmem:$0x14280] =	vst v63  }
0x8e: {  	_ = 	snop  }
0x8f: {  	[hbm4b:s9+s3] =	stream.indirect_vreg.scatter [tilespmem:s19], [sflag:$0x3], $0x80, v19, vm0, $0xb8;
	[tilespmem:$0x14280] =	vst v63  }
0x90: {  	_ = 	snop  }
0x91: {  	[hbm4b:s10+s3] =	stream.indirect_vreg.scatter [tilespmem:s20], [sflag:$0x3], $0x80, v19, vm0, $0xb8;
	[tilespmem:$0x14280] =	vst v63  }
0x92: {  	_ = 	snop  }
0x93: {  	[hbm4b:s11+s3] =	stream.indirect_vreg.scatter [tilespmem:s21], [sflag:$0x3], $0x80, v19, vm0, $0xb8;
	[tilespmem:$0x14280] =	vst v63  }
0x94: {  	v19 =	vld [tilespmem:$0x4090];
	_ =	sdelay $0x4  }
0x95: {  	v20 =	vshll.u32 v19, $0x3  }
0x96: {  	v19 =	vand.u32 $0x7, v19;
	v20 =	vand.u32 $0xFFFFFFC0, v20  }
0x97: {  	v19 =	vor.u32 v19, v20  }
0x98: {  	v20 =	vperm.xlane v19, v7;
	_ =	sdelay $0x1  }
0x99: {  	v20 =	vadd.s32 v8, v20;
	_ =	sdelay $0x4  }
0x9a: {  	[hbm4b:s4+s3] =	stream.indirect_vreg.scatter [tilespmem:s22], [sflag:$0x3], $0x80, v20, vm0, $0xb8;
	[tilespmem:$0x14280] =	vst v63  }
0x9b: {  	v19 =	vperm.xlane v19, v9  }
0x9c: {  	[hbm4b:s9+s3] =	stream.indirect_vreg.scatter [tilespmem:s23], [sflag:$0x3], $0x80, v20, vm0, $0xb8;
	[tilespmem:$0x14280] =	vst v63  }
0x9d: {  	v19 =	vadd.s32 v8, v19  }
0x9e: {  	[hbm4b:s10+s3] =	stream.indirect_vreg.scatter [tilespmem:s24], [sflag:$0x3], $0x80, v20, vm0, $0xb8;
	[tilespmem:$0x14280] =	vst v63  }
0x9f: {  	_ = 	snop  }
0xa0: {  	[hbm4b:s11+s3] =	stream.indirect_vreg.scatter [tilespmem:s25], [sflag:$0x3], $0x80, v20, vm0, $0xb8;
	[tilespmem:$0x14280] =	vst v63  }
0xa1: {  	_ = 	snop  }
0xa2: {  	[hbm4b:s4+s3] =	stream.indirect_vreg.scatter [tilespmem:s26], [sflag:$0x3], $0x80, v19, vm0, $0xb8;
	[tilespmem:$0x14280] =	vst v63  }
0xa3: {  	_ = 	snop  }
0xa4: {  	[hbm4b:s9+s3] =	stream.indirect_vreg.scatter [tilespmem:s28], [sflag:$0x3], $0x80, v19, vm0, $0xb8;
	[tilespmem:$0x14280] =	vst v63  }
0xa5: {  	_ = 	snop  }
0xa6: {  	[hbm4b:s10+s3] =	stream.indirect_vreg.scatter [tilespmem:s29], [sflag:$0x3], $0x80, v19, vm0, $0xb8;
	[tilespmem:$0x14280] =	vst v63  }
0xa7: {  	s1 =	simm.s32 $0x2  }
0xa8: {  	[hbm4b:s11+s3] =	stream.indirect_vreg.scatter [tilespmem:s30], [sflag:$0x3], $0x80, v19, vm0, $0xb8;
	[tilespmem:$0x14280] =	vst v63  }
0xa9: {  	_ =	swait.ge [sflag:s1], $0x8000  }
0xaa: {  	[sflag:s1] =	ssyncset.done $0x0  }
0xab: {  	[sflag:s1] =	ssyncadd.s32 $0xFFFF8000  }
0xac: {  	v19 =	vld [tilespmem:$0x4100];
	_ =	sdelay $0x4  }
0xad: {  	v20 =	vshll.u32 v19, $0x3  }
0xae: {  	v19 =	vand.u32 $0x7, v19;
	v20 =	vand.u32 $0xFFFFFFC0, v20  }
0xaf: {  	v19 =	vor.u32 v19, v20  }
0xb0: {  	v20 =	vperm.xlane v19, v7;
	_ =	sdelay $0x1  }
0xb1: {  	v20 =	vadd.s32 v8, v20;
	_ =	sdelay $0x3  }
0xb2: {  	s2 =	simm.s32 $0xC280  }
0xb3: {  	[hbm4b:s4+s3] =	stream.indirect_vreg.scatter [tilespmem:s2], [sflag:$0x4], $0x80, v20, vm0, $0xb8;
	[tilespmem:$0x14280] =	vst v63  }
0xb4: {  	s14 =	simm.s32 $0xCA80;
	v19 =	vperm.xlane v19, v9  }
0xb5: {  	[hbm4b:s9+s3] =	stream.indirect_vreg.scatter [tilespmem:s14], [sflag:$0x4], $0x80, v20, vm0, $0xb8;
	[tilespmem:$0x14280] =	vst v63  }
0xb6: {  	s16 =	simm.s32 $0xD280;
	v19 =	vadd.s32 v8, v19  }
0xb7: {  	[hbm4b:s10+s3] =	stream.indirect_vreg.scatter [tilespmem:s16], [sflag:$0x4], $0x80, v20, vm0, $0xb8;
	[tilespmem:$0x14280] =	vst v63  }
0xb8: {  	s14 =	simm.s32 $0xDA80  }
0xb9: {  	[hbm4b:s11+s3] =	stream.indirect_vreg.scatter [tilespmem:s14], [sflag:$0x4], $0x80, v20, vm0, $0xb8;
	[tilespmem:$0x14280] =	vst v63  }
0xba: {  	s16 =	simm.s32 $0xE280  }
0xbb: {  	[hbm4b:s4+s3] =	stream.indirect_vreg.scatter [tilespmem:s16], [sflag:$0x4], $0x80, v19, vm0, $0xb8;
	[tilespmem:$0x14280] =	vst v63  }
0xbc: {  	s14 =	simm.s32 $0xEA80  }
0xbd: {  	[hbm4b:s9+s3] =	stream.indirect_vreg.scatter [tilespmem:s14], [sflag:$0x4], $0x80, v19, vm0, $0xb8;
	[tilespmem:$0x14280] =	vst v63  }
0xbe: {  	s16 =	simm.s32 $0xF280  }
0xbf: {  	[hbm4b:s10+s3] =	stream.indirect_vreg.scatter [tilespmem:s16], [sflag:$0x4], $0x80, v19, vm0, $0xb8;
	[tilespmem:$0x14280] =	vst v63  }
0xc0: {  	s14 =	simm.s32 $0xFA80  }
0xc1: {  	[hbm4b:s11+s3] =	stream.indirect_vreg.scatter [tilespmem:s14], [sflag:$0x4], $0x80, v19, vm0, $0xb8;
	[tilespmem:$0x14280] =	vst v63  }
0xc2: {  	v19 =	vld [tilespmem:$0x4110];
	_ =	sdelay $0x4  }
0xc3: {  	v20 =	vshll.u32 v19, $0x3  }
0xc4: {  	v19 =	vand.u32 $0x7, v19;
	v20 =	vand.u32 $0xFFFFFFC0, v20  }
0xc5: {  	v19 =	vor.u32 v19, v20  }
0xc6: {  	v20 =	vperm.xlane v19, v7;
	_ =	sdelay $0x1  }
0xc7: {  	v20 =	vadd.s32 v8, v20;
	_ =	sdelay $0x3  }
0xc8: {  	s16 =	simm.s32 $0x10280  }
0xc9: {  	[hbm4b:s4+s3] =	stream.indirect_vreg.scatter [tilespmem:s16], [sflag:$0x4], $0x80, v20, vm0, $0xb8;
	[tilespmem:$0x14280] =	vst v63  }
0xca: {  	s14 =	simm.s32 $0x10A80;
	v19 =	vperm.xlane v19, v9  }
0xcb: {  	[hbm4b:s9+s3] =	stream.indirect_vreg.scatter [tilespmem:s14], [sflag:$0x4], $0x80, v20, vm0, $0xb8;
	[tilespmem:$0x14280] =	vst v63  }
0xcc: {  	v19 =	vadd.s32 v8, v19;
	s16 =	simm.s32 $0x11280  }
0xcd: {  	[hbm4b:s10+s3] =	stream.indirect_vreg.scatter [tilespmem:s16], [sflag:$0x4], $0x80, v20, vm0, $0xb8;
	[tilespmem:$0x14280] =	vst v63  }
0xce: {  	s14 =	simm.s32 $0x11A80  }
0xcf: {  	[hbm4b:s11+s3] =	stream.indirect_vreg.scatter [tilespmem:s14], [sflag:$0x4], $0x80, v20, vm0, $0xb8;
	[tilespmem:$0x14280] =	vst v63  }
0xd0: {  	s16 =	simm.s32 $0x12280  }
0xd1: {  	[hbm4b:s4+s3] =	stream.indirect_vreg.scatter [tilespmem:s16], [sflag:$0x4], $0x80, v19, vm0, $0xb8;
	[tilespmem:$0x14280] =	vst v63  }
0xd2: {  	s14 =	simm.s32 $0x12A80  }
0xd3: {  	[hbm4b:s9+s3] =	stream.indirect_vreg.scatter [tilespmem:s14], [sflag:$0x4], $0x80, v19, vm0, $0xb8;
	[tilespmem:$0x14280] =	vst v63  }
0xd4: {  	s16 =	simm.s32 $0x13280  }
0xd5: {  	[hbm4b:s10+s3] =	stream.indirect_vreg.scatter [tilespmem:s16], [sflag:$0x4], $0x80, v19, vm0, $0xb8;
	[tilespmem:$0x14280] =	vst v63  }
0xd6: {  	s2 =	simm.s32 $0x3;
	s14 =	simm.s32 $0x13A80  }
0xd7: {  	[hbm4b:s11+s3] =	stream.indirect_vreg.scatter [tilespmem:s14], [sflag:$0x4], $0x80, v19, vm0, $0xb8;
	[tilespmem:$0x14280] =	vst v63  }
0xd8: {  	_ =	swait.ge [sflag:s2], $0x8000  }
0xd9: {  	[sflag:s2] =	ssyncset.done $0x0  }
0xda: {  	s16 =	simm.s32 $0x4080;
	s14 =	rddreg [dreg:$0x7];
	[sflag:s2] =	ssyncadd.s32 $0xFFFF8000  }
0xdb: {  	[tilespmem:s16], [sflag:$0x5] =	stream.linear.gather [hbm4b:s14+s3], $0x20, $0x38;
	[tilespmem:$0x14280] =	vst v63  }
0xdc: {  	_ =	swait.ge [sflag:s13], $0x20  }
0xdd: {  	[sflag:s13] =	ssyncset.done $0x0  }
0xde: {  	[sflag:s13] =	ssyncadd.s32 $0xFFFFFFE0  }
0xdf: {  	[tilespmem:$0x4180] =	vst v4  }
0xe0: {  	[tilespmem:$0x4190] =	vst v6  }
0xe1: {  	[tilespmem:s15], [sflag:$0x1] =	stream.indirect_vreg.gather [hbm4b:s31+s3], $0x80, v15, vm0, $0xb8;
	[tilespmem:$0x14280] =	vst v63  }
0xe2: {  	_ = 	snop  }
0xe3: {  	[tilespmem:s5], [sflag:$0x1] =	stream.indirect_vreg.gather [hbm4b:s6+s3], $0x80, v15, vm0, $0xb8;
	[tilespmem:$0x14280] =	vst v63  }
0xe4: {  	s16 =	simm.s32 $0x5280  }
0xe5: {  	[tilespmem:s16], [sflag:$0x1] =	stream.indirect_vreg.gather [hbm4b:s7+s3], $0x80, v15, vm0, $0xb8;
	[tilespmem:$0x14280] =	vst v63  }
0xe6: {  	_ = 	snop  }
0xe7: {  	[tilespmem:s17], [sflag:$0x1] =	stream.indirect_vreg.gather [hbm4b:s8+s3], $0x80, v15, vm0, $0xb8;
	[tilespmem:$0x14280] =	vst v63  }
0xe8: {  	_ = 	snop  }
0xe9: {  	[tilespmem:s18], [sflag:$0x1] =	stream.indirect_vreg.gather [hbm4b:s31+s3], $0x80, v16, vm0, $0xb8;
	[tilespmem:$0x14280] =	vst v63  }
0xea: {  	_ = 	snop  }
0xeb: {  	[tilespmem:s19], [sflag:$0x1] =	stream.indirect_vreg.gather [hbm4b:s6+s3], $0x80, v16, vm0, $0xb8;
	[tilespmem:$0x14280] =	vst v63  }
0xec: {  	_ = 	snop  }
0xed: {  	[tilespmem:s20], [sflag:$0x1] =	stream.indirect_vreg.gather [hbm4b:s7+s3], $0x80, v16, vm0, $0xb8;
	[tilespmem:$0x14280] =	vst v63  }
0xee: {  	_ = 	snop  }
0xef: {  	[tilespmem:s21], [sflag:$0x1] =	stream.indirect_vreg.gather [hbm4b:s8+s3], $0x80, v16, vm0, $0xb8;
	[tilespmem:$0x14280] =	vst v63  }
0xf0: {  	v19 =	vld [tilespmem:$0x4190];
	_ =	sdelay $0x4  }
0xf1: {  	v20 =	vshll.u32 v19, $0x3  }
0xf2: {  	v19 =	vand.u32 $0x7, v19;
	v20 =	vand.u32 $0xFFFFFFC0, v20  }
0xf3: {  	v19 =	vor.u32 v19, v20  }
0xf4: {  	v20 =	vperm.xlane v19, v7;
	_ =	sdelay $0x1  }
0xf5: {  	v20 =	vadd.s32 v8, v20;
	_ =	sdelay $0x4  }
0xf6: {  	[tilespmem:s22], [sflag:$0x1] =	stream.indirect_vreg.gather [hbm4b:s31+s3], $0x80, v20, vm0, $0xb8;
	[tilespmem:$0x14280] =	vst v63  }
0xf7: {  	v19 =	vperm.xlane v19, v9  }
0xf8: {  	[tilespmem:s23], [sflag:$0x1] =	stream.indirect_vreg.gather [hbm4b:s6+s3], $0x80, v20, vm0, $0xb8;
	[tilespmem:$0x14280] =	vst v63  }
0xf9: {  	v19 =	vadd.s32 v8, v19  }
0xfa: {  	[tilespmem:s24], [sflag:$0x1] =	stream.indirect_vreg.gather [hbm4b:s7+s3], $0x80, v20, vm0, $0xb8;
	[tilespmem:$0x14280] =	vst v63  }
0xfb: {  	_ = 	snop  }
0xfc: {  	[tilespmem:s25], [sflag:$0x1] =	stream.indirect_vreg.gather [hbm4b:s8+s3], $0x80, v20, vm0, $0xb8;
	[tilespmem:$0x14280] =	vst v63  }
0xfd: {  	_ = 	snop  }
0xfe: {  	[tilespmem:s26], [sflag:$0x1] =	stream.indirect_vreg.gather [hbm4b:s31+s3], $0x80, v19, vm0, $0xb8;
	[tilespmem:$0x14280] =	vst v63  }
0xff: {  	_ = 	snop  }
0x100: {  	[tilespmem:s28], [sflag:$0x1] =	stream.indirect_vreg.gather [hbm4b:s6+s3], $0x80, v19, vm0, $0xb8;
	[tilespmem:$0x14280] =	vst v63  }
0x101: {  	_ = 	snop  }
0x102: {  	[tilespmem:s29], [sflag:$0x1] =	stream.indirect_vreg.gather [hbm4b:s7+s3], $0x80, v19, vm0, $0xb8;
	[tilespmem:$0x14280] =	vst v63  }
0x103: {  	_ = 	snop  }
0x104: {  	[tilespmem:s30], [sflag:$0x1] =	stream.indirect_vreg.gather [hbm4b:s8+s3], $0x80, v19, vm0, $0xb8;
	[tilespmem:$0x14280] =	vst v63  }
0x105: {  	_ =	swait.ge [sflag:s0], $0x8000  }
0x106: {  	[sflag:s0] =	ssyncset.done $0x0  }
0x107: {  	[sflag:s0] =	ssyncadd.s32 $0xFFFF8000  }
0x108: {  	v19 =	vld [tilespmem:$0x4080];
	_ =	sdelay $0x4  }
0x109: {  	v20 =	vshll.u32 v19, $0x3  }
0x10a: {  	v19 =	vand.u32 $0x7, v19;
	v20 =	vand.u32 $0xFFFFFFC0, v20  }
0x10b: {  	v19 =	vor.u32 v19, v20  }
0x10c: {  	v20 =	vperm.xlane v19, v7;
	_ =	sdelay $0x1  }
0x10d: {  	v20 =	vadd.s32 v8, v20;
	_ =	sdelay $0x4  }
0x10e: {  	[hbm4b:s4+s3] =	stream.indirect_vreg.scatter [tilespmem:s15], [sflag:$0x3], $0x80, v20, vm0, $0xb8;
	[tilespmem:$0x14280] =	vst v63  }
0x10f: {  	v19 =	vperm.xlane v19, v9  }
0x110: {  	[hbm4b:s9+s3] =	stream.indirect_vreg.scatter [tilespmem:s5], [sflag:$0x3], $0x80, v20, vm0, $0xb8;
	[tilespmem:$0x14280] =	vst v63  }
0x111: {  	v19 =	vadd.s32 v8, v19  }
0x112: {  	[hbm4b:s10+s3] =	stream.indirect_vreg.scatter [tilespmem:s16], [sflag:$0x3], $0x80, v20, vm0, $0xb8;
	[tilespmem:$0x14280] =	vst v63  }
0x113: {  	_ = 	snop  }
0x114: {  	[hbm4b:s11+s3] =	stream.indirect_vreg.scatter [tilespmem:s17], [sflag:$0x3], $0x80, v20, vm0, $0xb8;
	[tilespmem:$0x14280] =	vst v63  }
0x115: {  	_ = 	snop  }
0x116: {  	[hbm4b:s4+s3] =	stream.indirect_vreg.scatter [tilespmem:s18], [sflag:$0x3], $0x80, v19, vm0, $0xb8;
	[tilespmem:$0x14280] =	vst v63  }
0x117: {  	_ = 	snop  }
0x118: {  	[hbm4b:s9+s3] =	stream.indirect_vreg.scatter [tilespmem:s19], [sflag:$0x3], $0x80, v19, vm0, $0xb8;
	[tilespmem:$0x14280] =	vst v63  }
0x119: {  	_ = 	snop  }
0x11a: {  	[hbm4b:s10+s3] =	stream.indirect_vreg.scatter [tilespmem:s20], [sflag:$0x3], $0x80, v19, vm0, $0xb8;
	[tilespmem:$0x14280] =	vst v63  }
0x11b: {  	_ = 	snop  }
0x11c: {  	[hbm4b:s11+s3] =	stream.indirect_vreg.scatter [tilespmem:s21], [sflag:$0x3], $0x80, v19, vm0, $0xb8;
	[tilespmem:$0x14280] =	vst v63  }
0x11d: {  	v19 =	vld [tilespmem:$0x4090];
	_ =	sdelay $0x4  }
0x11e: {  	v20 =	vshll.u32 v19, $0x3  }
0x11f: {  	v19 =	vand.u32 $0x7, v19;
	v20 =	vand.u32 $0xFFFFFFC0, v20  }
0x120: {  	v19 =	vor.u32 v19, v20  }
0x121: {  	v20 =	vperm.xlane v19, v7;
	_ =	sdelay $0x1  }
0x122: {  	v20 =	vadd.s32 v8, v20;
	_ =	sdelay $0x4  }
0x123: {  	[hbm4b:s4+s3] =	stream.indirect_vreg.scatter [tilespmem:s22], [sflag:$0x3], $0x80, v20, vm0, $0xb8;
	[tilespmem:$0x14280] =	vst v63  }
0x124: {  	v19 =	vperm.xlane v19, v9  }
0x125: {  	[hbm4b:s9+s3] =	stream.indirect_vreg.scatter [tilespmem:s23], [sflag:$0x3], $0x80, v20, vm0, $0xb8;
	[tilespmem:$0x14280] =	vst v63  }
0x126: {  	v19 =	vadd.s32 v8, v19  }
0x127: {  	[hbm4b:s10+s3] =	stream.indirect_vreg.scatter [tilespmem:s24], [sflag:$0x3], $0x80, v20, vm0, $0xb8;
	[tilespmem:$0x14280] =	vst v63  }
0x128: {  	_ = 	snop  }
0x129: {  	[hbm4b:s11+s3] =	stream.indirect_vreg.scatter [tilespmem:s25], [sflag:$0x3], $0x80, v20, vm0, $0xb8;
	[tilespmem:$0x14280] =	vst v63  }
0x12a: {  	_ = 	snop  }
0x12b: {  	[hbm4b:s4+s3] =	stream.indirect_vreg.scatter [tilespmem:s26], [sflag:$0x3], $0x80, v19, vm0, $0xb8;
	[tilespmem:$0x14280] =	vst v63  }
0x12c: {  	_ = 	snop  }
0x12d: {  	[hbm4b:s9+s3] =	stream.indirect_vreg.scatter [tilespmem:s28], [sflag:$0x3], $0x80, v19, vm0, $0xb8;
	[tilespmem:$0x14280] =	vst v63  }
0x12e: {  	_ = 	snop  }
0x12f: {  	[hbm4b:s10+s3] =	stream.indirect_vreg.scatter [tilespmem:s29], [sflag:$0x3], $0x80, v19, vm0, $0xb8;
	[tilespmem:$0x14280] =	vst v63  }
0x130: {  	s0 =	simm.s32 $0x4  }
0x131: {  	[hbm4b:s11+s3] =	stream.indirect_vreg.scatter [tilespmem:s30], [sflag:$0x3], $0x80, v19, vm0, $0xb8;
	[tilespmem:$0x14280] =	vst v63  }
0x132: {  	_ =	swait.ge [sflag:s0], $0x8000  }
0x133: {  	[sflag:s0] =	ssyncset.done $0x0  }
0x134: {  	s29 =	simm.s32 $0x4100;
	s28 =	rddreg [dreg:$0x8];
	[sflag:s0] =	ssyncadd.s32 $0xFFFF8000  }
0x135: {  	[tilespmem:s29], [sflag:$0x5] =	stream.linear.gather [hbm4b:s28+s3], $0x20, $0x38;
	[tilespmem:$0x14280] =	vst v63  }
0x136: {  	_ =	swait.ge [sflag:s13], $0x20  }
0x137: {  	[sflag:s13] =	ssyncset.done $0x0  }
0x138: {  	[sflag:s13] =	ssyncadd.s32 $0xFFFFFFE0  }
0x139: {  	[tilespmem:$0x4200] =	vst v5  }
0x13a: {  	s29 =	simm.s32 $0xC280;
	[tilespmem:$0x4210] =	vst v10  }
0x13b: {  	[tilespmem:s29], [sflag:$0x2] =	stream.indirect_vreg.gather [hbm4b:s31+s3], $0x80, v17, vm0, $0xb8;
	[tilespmem:$0x14280] =	vst v63  }
0x13c: {  	s28 =	simm.s32 $0xCA80  }
0x13d: {  	[tilespmem:s28], [sflag:$0x2] =	stream.indirect_vreg.gather [hbm4b:s6+s3], $0x80, v17, vm0, $0xb8;
	[tilespmem:$0x14280] =	vst v63  }
0x13e: {  	s5 =	simm.s32 $0xD280  }
0x13f: {  	[tilespmem:s5], [sflag:$0x2] =	stream.indirect_vreg.gather [hbm4b:s7+s3], $0x80, v17, vm0, $0xb8;
	[tilespmem:$0x14280] =	vst v63  }
0x140: {  	s14 =	simm.s32 $0xDA80  }
0x141: {  	[tilespmem:s14], [sflag:$0x2] =	stream.indirect_vreg.gather [hbm4b:s8+s3], $0x80, v17, vm0, $0xb8;
	[tilespmem:$0x14280] =	vst v63  }
0x142: {  	s15 =	simm.s32 $0xE280  }
0x143: {  	[tilespmem:s15], [sflag:$0x2] =	stream.indirect_vreg.gather [hbm4b:s31+s3], $0x80, v18, vm0, $0xb8;
	[tilespmem:$0x14280] =	vst v63  }
0x144: {  	s16 =	simm.s32 $0xEA80  }
0x145: {  	[tilespmem:s16], [sflag:$0x2] =	stream.indirect_vreg.gather [hbm4b:s6+s3], $0x80, v18, vm0, $0xb8;
	[tilespmem:$0x14280] =	vst v63  }
0x146: {  	s17 =	simm.s32 $0xF280  }
0x147: {  	[tilespmem:s17], [sflag:$0x2] =	stream.indirect_vreg.gather [hbm4b:s7+s3], $0x80, v18, vm0, $0xb8;
	[tilespmem:$0x14280] =	vst v63  }
0x148: {  	s24 =	simm.s32 $0xFA80  }
0x149: {  	[tilespmem:s24], [sflag:$0x2] =	stream.indirect_vreg.gather [hbm4b:s8+s3], $0x80, v18, vm0, $0xb8;
	[tilespmem:$0x14280] =	vst v63  }
0x14a: {  	v19 =	vld [tilespmem:$0x4210];
	_ =	sdelay $0x4  }
0x14b: {  	v20 =	vshll.u32 v19, $0x3  }
0x14c: {  	v19 =	vand.u32 $0x7, v19;
	v20 =	vand.u32 $0xFFFFFFC0, v20  }
0x14d: {  	v19 =	vor.u32 v19, v20  }
0x14e: {  	v20 =	vperm.xlane v19, v7;
	_ =	sdelay $0x1  }
0x14f: {  	v20 =	vadd.s32 v8, v20;
	_ =	sdelay $0x3  }
0x150: {  	s25 =	simm.s32 $0x10280  }
0x151: {  	[tilespmem:s25], [sflag:$0x2] =	stream.indirect_vreg.gather [hbm4b:s31+s3], $0x80, v20, vm0, $0xb8;
	[tilespmem:$0x14280] =	vst v63  }
0x152: {  	s26 =	simm.s32 $0x10A80;
	v19 =	vperm.xlane v19, v9  }
0x153: {  	[tilespmem:s26], [sflag:$0x2] =	stream.indirect_vreg.gather [hbm4b:s6+s3], $0x80, v20, vm0, $0xb8;
	[tilespmem:$0x14280] =	vst v63  }
0x154: {  	s18 =	simm.s32 $0x11280;
	v19 =	vadd.s32 v8, v19  }
0x155: {  	[tilespmem:s18], [sflag:$0x2] =	stream.indirect_vreg.gather [hbm4b:s7+s3], $0x80, v20, vm0, $0xb8;
	[tilespmem:$0x14280] =	vst v63  }
0x156: {  	s19 =	simm.s32 $0x11A80  }
0x157: {  	[tilespmem:s19], [sflag:$0x2] =	stream.indirect_vreg.gather [hbm4b:s8+s3], $0x80, v20, vm0, $0xb8;
	[tilespmem:$0x14280] =	vst v63  }
0x158: {  	s20 =	simm.s32 $0x12280  }
0x159: {  	[tilespmem:s20], [sflag:$0x2] =	stream.indirect_vreg.gather [hbm4b:s31+s3], $0x80, v19, vm0, $0xb8;
	[tilespmem:$0x14280] =	vst v63  }
0x15a: {  	s21 =	simm.s32 $0x12A80  }
0x15b: {  	[tilespmem:s21], [sflag:$0x2] =	stream.indirect_vreg.gather [hbm4b:s6+s3], $0x80, v19, vm0, $0xb8;
	[tilespmem:$0x14280] =	vst v63  }
0x15c: {  	s22 =	simm.s32 $0x13280  }
0x15d: {  	[tilespmem:s22], [sflag:$0x2] =	stream.indirect_vreg.gather [hbm4b:s7+s3], $0x80, v19, vm0, $0xb8;
	[tilespmem:$0x14280] =	vst v63  }
0x15e: {  	s23 =	simm.s32 $0x13A80  }
0x15f: {  	[tilespmem:s23], [sflag:$0x2] =	stream.indirect_vreg.gather [hbm4b:s8+s3], $0x80, v19, vm0, $0xb8;
	[tilespmem:$0x14280] =	vst v63  }
0x160: {  	_ =	swait.ge [sflag:s1], $0x8000  }
0x161: {  	[sflag:s1] =	ssyncset.done $0x0  }
0x162: {  	[sflag:s1] =	ssyncadd.s32 $0xFFFF8000  }
0x163: {  	v19 =	vld [tilespmem:$0x4100];
	_ =	sdelay $0x4  }
0x164: {  	v20 =	vshll.u32 v19, $0x3  }
0x165: {  	v19 =	vand.u32 $0x7, v19;
	v20 =	vand.u32 $0xFFFFFFC0, v20  }
0x166: {  	v19 =	vor.u32 v19, v20  }
0x167: {  	v20 =	vperm.xlane v19, v7;
	_ =	sdelay $0x1  }
0x168: {  	v20 =	vadd.s32 v8, v20;
	_ =	sdelay $0x4  }
0x169: {  	[hbm4b:s4+s3] =	stream.indirect_vreg.scatter [tilespmem:s29], [sflag:$0x4], $0x80, v20, vm0, $0xb8;
	[tilespmem:$0x14280] =	vst v63  }
0x16a: {  	v19 =	vperm.xlane v19, v9  }
0x16b: {  	[hbm4b:s9+s3] =	stream.indirect_vreg.scatter [tilespmem:s28], [sflag:$0x4], $0x80, v20, vm0, $0xb8;
	[tilespmem:$0x14280] =	vst v63  }
0x16c: {  	v19 =	vadd.s32 v8, v19  }
0x16d: {  	[hbm4b:s10+s3] =	stream.indirect_vreg.scatter [tilespmem:s5], [sflag:$0x4], $0x80, v20, vm0, $0xb8;
	[tilespmem:$0x14280] =	vst v63  }
0x16e: {  	_ = 	snop  }
0x16f: {  	[hbm4b:s11+s3] =	stream.indirect_vreg.scatter [tilespmem:s14], [sflag:$0x4], $0x80, v20, vm0, $0xb8;
	[tilespmem:$0x14280] =	vst v63  }
0x170: {  	_ = 	snop  }
0x171: {  	[hbm4b:s4+s3] =	stream.indirect_vreg.scatter [tilespmem:s15], [sflag:$0x4], $0x80, v19, vm0, $0xb8;
	[tilespmem:$0x14280] =	vst v63  }
0x172: {  	_ = 	snop  }
0x173: {  	[hbm4b:s9+s3] =	stream.indirect_vreg.scatter [tilespmem:s16], [sflag:$0x4], $0x80, v19, vm0, $0xb8;
	[tilespmem:$0x14280] =	vst v63  }
0x174: {  	_ = 	snop  }
0x175: {  	[hbm4b:s10+s3] =	stream.indirect_vreg.scatter [tilespmem:s17], [sflag:$0x4], $0x80, v19, vm0, $0xb8;
	[tilespmem:$0x14280] =	vst v63  }
0x176: {  	_ = 	snop  }
0x177: {  	[hbm4b:s11+s3] =	stream.indirect_vreg.scatter [tilespmem:s24], [sflag:$0x4], $0x80, v19, vm0, $0xb8;
	[tilespmem:$0x14280] =	vst v63  }
0x178: {  	v19 =	vld [tilespmem:$0x4110];
	_ =	sdelay $0x4  }
0x179: {  	v20 =	vshll.u32 v19, $0x3  }
0x17a: {  	v19 =	vand.u32 $0x7, v19;
	v20 =	vand.u32 $0xFFFFFFC0, v20  }
0x17b: {  	v19 =	vor.u32 v19, v20  }
0x17c: {  	v20 =	vperm.xlane v19, v7;
	_ =	sdelay $0x1  }
0x17d: {  	v20 =	vadd.s32 v8, v20;
	_ =	sdelay $0x4  }
0x17e: {  	[hbm4b:s4+s3] =	stream.indirect_vreg.scatter [tilespmem:s25], [sflag:$0x4], $0x80, v20, vm0, $0xb8;
	[tilespmem:$0x14280] =	vst v63  }
0x17f: {  	v19 =	vperm.xlane v19, v9  }
0x180: {  	[hbm4b:s9+s3] =	stream.indirect_vreg.scatter [tilespmem:s26], [sflag:$0x4], $0x80, v20, vm0, $0xb8;
	[tilespmem:$0x14280] =	vst v63  }
0x181: {  	v19 =	vadd.s32 v8, v19  }
0x182: {  	[hbm4b:s10+s3] =	stream.indirect_vreg.scatter [tilespmem:s18], [sflag:$0x4], $0x80, v20, vm0, $0xb8;
	[tilespmem:$0x14280] =	vst v63  }
0x183: {  	_ = 	snop  }
0x184: {  	[hbm4b:s11+s3] =	stream.indirect_vreg.scatter [tilespmem:s19], [sflag:$0x4], $0x80, v20, vm0, $0xb8;
	[tilespmem:$0x14280] =	vst v63  }
0x185: {  	_ = 	snop  }
0x186: {  	[hbm4b:s4+s3] =	stream.indirect_vreg.scatter [tilespmem:s20], [sflag:$0x4], $0x80, v19, vm0, $0xb8;
	[tilespmem:$0x14280] =	vst v63  }
0x187: {  	_ = 	snop  }
0x188: {  	[hbm4b:s9+s3] =	stream.indirect_vreg.scatter [tilespmem:s21], [sflag:$0x4], $0x80, v19, vm0, $0xb8;
	[tilespmem:$0x14280] =	vst v63  }
0x189: {  	_ = 	snop  }
0x18a: {  	[hbm4b:s10+s3] =	stream.indirect_vreg.scatter [tilespmem:s22], [sflag:$0x4], $0x80, v19, vm0, $0xb8;
	[tilespmem:$0x14280] =	vst v63  }
0x18b: {  	_ = 	snop  }
0x18c: {  	[hbm4b:s11+s3] =	stream.indirect_vreg.scatter [tilespmem:s23], [sflag:$0x4], $0x80, v19, vm0, $0xb8;
	[tilespmem:$0x14280] =	vst v63  }
0x18d: {  	p0 =	sne.s32 s12, $0x1;
	_ =	swait.ge [sflag:s2], $0x8000  }
.Ltmp0:
0x18e: {  	[sflag:s2] =	ssyncset.done $0x0;
	(pc) =	sbr.rel @p0 .LBB2_1-.Ltmp0, $4  }
0x18f: {  	[sflag:s2] =	ssyncadd.s32 $0xFFFF8000  }
0x190: {  	_ =	swait.ge [sflag:s0], $0x8000  }
0x191: {  	[sflag:s0] =	ssyncset.done $0x0  }
0x192: {  	s12 =	sadd.s32 $0xFFFFFFFF, s12;
	[sflag:s0] =	ssyncadd.s32 $0xFFFF8000  }
0x193: {  	_ =	sfence.sel $0x180000  }
0x194: {  	[bflag:$0x0] =	sbarrier.arrive $0xFFFF  }
0x195: {  	_ =	strace $0x90000047  }
0x196: {  	s0 =	stileid.u32;
	[bflag:$0x2] =	sbarrier.arrive $0xFFFF  }
0x197: {  	p0 =	sne.s32 s0, $0x0;
	s0 =	rddreg [dreg:$0x3]  }
0x198: {  	s0 =	sadd.s32 @!p0 $0x100000, s0  }
0x199: {  	[sflag:s0] =	ssyncadd.tile.s32 @!p0 $0x1;
	_ =	shalt  }
.Lfunc_end2:
_tile_overlayer_lowered:
.L_overlay_start_2:
0x19a: {  	(tag) =	ssettag $0x2  }
0x19b: {  	s0 =	rddreg [dreg:$0x0];
	s2 =	stileid.u32  }
0x19c: {  	s1 =	rddreg [dreg:$0x1];
	p0 =	sne.s32 s2, $0x0  }
0x19d: {  	s3 =	rddreg [dreg:$0x2];
	[bflag:$0x3] =	sbarrier.arrive $0xFFFF;
	s2 =	simm.s32 @!p0 $0x1C05  }
0x19e: {  	[timem:s3], [sflag:s2] =	dma.local @!p0 [hbm:s0], s1  }
0x19f: {  	s0 =	simm.s32 @!p0 $0x5  }
0x1a0: {  	_ =	swait.ge @!p0 [sflag:s0], s1  }
0x1a1: {  	s1 =	ssub.s32 @!p0 $0x0, s1;
	[sflag:s0] =	ssyncset.done @!p0 $0x0  }
0x1a2: {  	[sflag:s0] =	ssyncadd.s32 @!p0 s1  }
0x1a3: {  	[bflag:$0x3] =	sbarrier.arrive $0xFFFF  }
0x1a4: {  	_ =	shalt  }

</sc_bundles>
